<compile_context>
chip_gen: v7x
topology: tpu7x:2x2x1
jax: 0.10.2.dev20260603
libtpu: 0.0.44.dev20260713+nightly
codegen_flags: <defaults>
</compile_context>

<pallas_src>
import functools

import jax
import jax.numpy as jnp
from jax import lax
from jax.experimental import pallas as pl
from jax.experimental.pallas import tpu as pltpu
from jax.experimental.pallas import tpu_sc as plsc

D = 1000
V = 1000
B_TOTAL = 20480
NW = 32
B_PER_W = B_TOTAL // NW
CHUNK = 32
NCHUNK = B_PER_W // CHUNK


def _sc_gather(table, idx):
    mesh = plsc.VectorSubcoreMesh(core_axis_name="c", subcore_axis_name="s")

    @functools.partial(
        pl.kernel,
        mesh=mesh,
        compiler_params=pltpu.CompilerParams(use_tc_tiling_on_sc=False),
        out_type=jax.ShapeDtypeStruct((B_TOTAL, D), jnp.float32),
        scratch_types=[
            pltpu.VMEM((B_PER_W,), jnp.int32),
            pltpu.VMEM((2, CHUNK, D), jnp.float32),
            pltpu.VMEM_SHARED((V, D), jnp.float32),
            pltpu.SemaphoreType.DMA,
            pltpu.SemaphoreType.DMA,
            pltpu.SemaphoreType.DMA,
            pltpu.SemaphoreType.DMA,
        ],
    )
    def k(table_hbm, idx_hbm, out_hbm, idx_v, rows_v, table_s, g0, g1, s0, s1):
        sid = lax.axis_index("s")
        wid = sid * 2 + lax.axis_index("c")
        base = wid * B_PER_W
        gsem = (g0, g1)
        ssem = (s0, s1)

        @pl.when(sid < 15)
        def _stage():
            vbase = sid * 63
            pltpu.sync_copy(
                table_hbm.at[pl.ds(vbase, 63)], table_s.at[pl.ds(vbase, 63)]
            )

        @pl.when(sid == 15)
        def _stage_tail():
            pltpu.sync_copy(
                table_hbm.at[pl.ds(945, 55)], table_s.at[pl.ds(945, 55)]
            )

        pltpu.sync_copy(idx_hbm.at[pl.ds(base, B_PER_W)], idx_v)
        plsc.subcore_barrier()

        def gather(c, b):
            return pltpu.async_copy(
                table_s.at[idx_v.at[pl.ds(c * CHUNK, CHUNK)]],
                rows_v.at[b],
                gsem[b],
            )

        gathers = [gather(0, 0), None]
        scatters = [None, None]
        for c in range(NCHUNK):
            b = c % 2
            gathers[b].wait()
            if c + 1 < NCHUNK:
                nb = (c + 1) % 2
                if scatters[nb] is not None:
                    scatters[nb].wait()
                gathers[nb] = gather(c + 1, nb)
            scatters[b] = pltpu.async_copy(
                rows_v.at[b],
                out_hbm.at[pl.ds(base + c * CHUNK, CHUNK)],
                ssem[b],
            )
        scatters[0].wait()
        scatters[1].wait()

    return k(table, idx)


def kernel(x, y, table):
    idx = x.reshape(-1).astype(jnp.int32)
    out = _sc_gather(table, idx)
    return out.reshape(x.shape[0], x.shape[1], D)

# --- scband reference (transcript-rebuilt; emitter-appended) ---
"""Pipeline reference for scband-bigram-model-languege-63290638073893 (READ-ONLY COPY).

The authoritative reference and input builder live on the scoring server;
editing this copy changes nothing except your own understanding.
"""

import jax, jax.numpy as jnp
import numpy as np

VOCAB = 1000
B, L = 1024, 20

def setup_inputs(seed: int = 0) -> dict:
    key = jax.random.key(seed)
    k1, k2, k3 = jax.random.split(key, 3)
    x = jax.random.randint(k1, (B, L), 0, VOCAB, dtype=jnp.int64) if jax.config.jax_enable_x64 else jax.random.randint(k1, (B, L), 0, VOCAB, dtype=jnp.int32)
    y = jax.random.randint(k2, (B, L), 0, VOCAB, dtype=jnp.int32)
    table = jax.random.normal(k3, (VOCAB, VOCAB), dtype=jnp.float32)
    return {"x": x, "y": y, "table": table}

def reference(x, y, table):
    # BigramModelLanguege.forward: logits = token_embedding_table(x); y is unused
    logits = jnp.take(table, x, axis=0)
    return logits

if __name__ == "__main__":
    import jax
    _d = setup_inputs()
    print(jax.jit(kernel)(*tuple(_d.values())))

</pallas_src>

<mosaic_0001>
#map = affine_map<(d0, d1) -> (0, 0)>
#map1 = affine_map<(d0, d1) -> (0)>
module attributes {stable_mosaic.version = 14 : i64} {
  func.func @k(%arg0: i32, %arg1: i32, %arg2: memref<1000x1000xf32, #tpu.memory_space<hbm>>, %arg3: memref<20480xi32, #tpu.memory_space<hbm>>, %arg4: memref<20480x1000xf32, #tpu.memory_space<hbm>>, %arg5: memref<640xi32, #tpu.memory_space<vmem>>, %arg6: memref<2x32x1000xf32, #tpu.memory_space<vmem>>, %arg7: memref<1000x1000xf32, #tpu.memory_space<vmem_shared>>, %arg8: memref<!tpu.dma_semaphore, #tpu.memory_space<semaphore_mem>>, %arg9: memref<!tpu.dma_semaphore, #tpu.memory_space<semaphore_mem>>, %arg10: memref<!tpu.dma_semaphore, #tpu.memory_space<semaphore_mem>>, %arg11: memref<!tpu.dma_semaphore, #tpu.memory_space<semaphore_mem>>) attributes {dimension_semantics = [#tpu.dimension_semantics<core_parallel>, #tpu.dimension_semantics<subcore_parallel>], iteration_bounds = array<i64: 2, 16>, scalar_prefetch = 0 : i64, scratch_operands = 7 : i64, tpu.core_type = #tpu.core_type<sc_vector_subcore>, window_params = [{transform_indices = #map}, {transform_indices = #map1}, {transform_indices = #map}]} {
    %mul3A = arith.constant 2 : i32
    %mul3A_0 = arith.muli %arg1, %mul3A : i32
    %add3A = arith.addi %mul3A_0, %arg0 : i32
    %mul3A_1 = arith.constant 640 : i32
    %mul3A_2 = arith.muli %add3A, %mul3A_1 : i32
    %lt3A = arith.constant 15 : i32
    %lt3A_3 = arith.cmpi slt, %arg1, %lt3A : i32
    %convert_element_type3A = arith.extui %lt3A_3 : i1 to i32
    %cond3A = arith.constant 0 : i32
    %cond3A_4 = arith.cmpi ne, %convert_element_type3A, %cond3A : i32
    scf.if %cond3A_4 {
      %mul3A_967 = arith.constant 63 : i32
      %mul3A_968 = arith.muli %arg1, %mul3A_967 : i32
      "tpu.region"() ({
        %run_scoped3A = tpu.sem_alloc : memref<!tpu.dma_semaphore, #tpu.memory_space<semaphore_mem>>
        %dma_start3A_969 = arith.constant 0 : i32
        %dma_start3A_970 = tpu.memref_slice %arg7[%mul3A_968, %dma_start3A_969] : memref<1000x1000xf32, #tpu.memory_space<vmem_shared>> -> memref<63x1000xf32, #tpu.memory_space<vmem_shared>>
        %dma_start3A_971 = arith.constant 0 : i32
        %dma_start3A_972 = tpu.memref_slice %arg2[%mul3A_968, %dma_start3A_971] : memref<1000x1000xf32, #tpu.memory_space<hbm>> -> memref<63x1000xf32, #tpu.memory_space<hbm>>
        tpu.enqueue_dma source(%dma_start3A_972 : memref<63x1000xf32, #tpu.memory_space<hbm>>) target(%dma_start3A_970 : memref<63x1000xf32, #tpu.memory_space<vmem_shared>>) target_semaphore(%run_scoped3A : memref<!tpu.dma_semaphore, #tpu.memory_space<semaphore_mem>>)
        %dma_wait3A_973 = arith.constant 0 : i32
        %dma_wait3A_974 = tpu.memref_slice %arg7[%mul3A_968, %dma_wait3A_973] : memref<1000x1000xf32, #tpu.memory_space<vmem_shared>> -> memref<63x1000xf32, #tpu.memory_space<vmem_shared>>
        %dma_wait3A_975 = arith.constant 0 : i32
        %dma_wait3A_976 = tpu.memref_slice %arg2[%mul3A_968, %dma_wait3A_975] : memref<1000x1000xf32, #tpu.memory_space<hbm>> -> memref<63x1000xf32, #tpu.memory_space<hbm>>
        tpu.wait_dma2 semaphore(%run_scoped3A : memref<!tpu.dma_semaphore, #tpu.memory_space<semaphore_mem>>) src(%dma_wait3A_976 : memref<63x1000xf32, #tpu.memory_space<hbm>>) dst(%dma_wait3A_974 : memref<63x1000xf32, #tpu.memory_space<vmem_shared>>)
        tpu.yield
      }) : () -> ()
    } else {
    }
    %eq3A = arith.constant 15 : i32
    %eq3A_5 = arith.cmpi eq, %arg1, %eq3A : i32
    %convert_element_type3A_6 = arith.extui %eq3A_5 : i1 to i32
    %cond3A_7 = arith.constant 0 : i32
    %cond3A_8 = arith.cmpi ne, %convert_element_type3A_6, %cond3A_7 : i32
    scf.if %cond3A_8 {
      "tpu.region"() ({
        %run_scoped3A = tpu.sem_alloc : memref<!tpu.dma_semaphore, #tpu.memory_space<semaphore_mem>>
        %dma_start3A_967 = arith.constant 945 : i32
        %dma_start3A_968 = arith.constant 0 : i32
        %dma_start3A_969 = tpu.memref_slice %arg7[%dma_start3A_967, %dma_start3A_968] : memref<1000x1000xf32, #tpu.memory_space<vmem_shared>> -> memref<55x1000xf32, #tpu.memory_space<vmem_shared>>
        %dma_start3A_970 = arith.constant 945 : i32
        %dma_start3A_971 = arith.constant 0 : i32
        %dma_start3A_972 = tpu.memref_slice %arg2[%dma_start3A_970, %dma_start3A_971] : memref<1000x1000xf32, #tpu.memory_space<hbm>> -> memref<55x1000xf32, #tpu.memory_space<hbm>>
        tpu.enqueue_dma source(%dma_start3A_972 : memref<55x1000xf32, #tpu.memory_space<hbm>>) target(%dma_start3A_969 : memref<55x1000xf32, #tpu.memory_space<vmem_shared>>) target_semaphore(%run_scoped3A : memref<!tpu.dma_semaphore, #tpu.memory_space<semaphore_mem>>)
        %dma_wait3A_973 = arith.constant 945 : i32
        %dma_wait3A_974 = arith.constant 0 : i32
        %dma_wait3A_975 = tpu.memref_slice %arg7[%dma_wait3A_973, %dma_wait3A_974] : memref<1000x1000xf32, #tpu.memory_space<vmem_shared>> -> memref<55x1000xf32, #tpu.memory_space<vmem_shared>>
        %dma_wait3A_976 = arith.constant 945 : i32
        %dma_wait3A_977 = arith.constant 0 : i32
        %dma_wait3A_978 = tpu.memref_slice %arg2[%dma_wait3A_976, %dma_wait3A_977] : memref<1000x1000xf32, #tpu.memory_space<hbm>> -> memref<55x1000xf32, #tpu.memory_space<hbm>>
        tpu.wait_dma2 semaphore(%run_scoped3A : memref<!tpu.dma_semaphore, #tpu.memory_space<semaphore_mem>>) src(%dma_wait3A_978 : memref<55x1000xf32, #tpu.memory_space<hbm>>) dst(%dma_wait3A_975 : memref<55x1000xf32, #tpu.memory_space<vmem_shared>>)
        tpu.yield
      }) : () -> ()
    } else {
    }
    "tpu.region"() ({
      %run_scoped3A = tpu.sem_alloc : memref<!tpu.dma_semaphore, #tpu.memory_space<semaphore_mem>>
      %dma_start3A_967 = tpu.memref_slice %arg3[%mul3A_2] : memref<20480xi32, #tpu.memory_space<hbm>> -> memref<640xi32, #tpu.memory_space<hbm>>
      %dma_start3A_968 = tpu.memref_slice %arg3[%mul3A_2] : memref<20480xi32, #tpu.memory_space<hbm>> -> memref<640xi32, #tpu.memory_space<hbm>>
      tpu.enqueue_dma source(%dma_start3A_968 : memref<640xi32, #tpu.memory_space<hbm>>) target(%arg5 : memref<640xi32, #tpu.memory_space<vmem>>) target_semaphore(%run_scoped3A : memref<!tpu.dma_semaphore, #tpu.memory_space<semaphore_mem>>)
      %dma_wait3A_969 = tpu.memref_slice %arg3[%mul3A_2] : memref<20480xi32, #tpu.memory_space<hbm>> -> memref<640xi32, #tpu.memory_space<hbm>>
      %dma_wait3A_970 = tpu.memref_slice %arg3[%mul3A_2] : memref<20480xi32, #tpu.memory_space<hbm>> -> memref<640xi32, #tpu.memory_space<hbm>>
      tpu.wait_dma2 semaphore(%run_scoped3A : memref<!tpu.dma_semaphore, #tpu.memory_space<semaphore_mem>>) src(%dma_wait3A_970 : memref<640xi32, #tpu.memory_space<hbm>>) dst(%arg5 : memref<640xi32, #tpu.memory_space<vmem>>)
      tpu.yield
    }) : () -> ()
    %barrier3A = arith.constant 0 : index
    tpu.barrier barrier_id(%barrier3A)
    %dma_start3A = arith.constant 0 : i32
    %dma_start3A_9 = arith.constant 0 : i32
    %dma_start3A_10 = arith.constant 0 : i32
    %dma_start3A_11 = tpu.memref_slice %arg6[%dma_start3A, %dma_start3A_9, %dma_start3A_10] : memref<2x32x1000xf32, #tpu.memory_space<vmem>> -> memref<1x32x1000xf32, #tpu.memory_space<vmem>>
    %dma_start3A_12 = tpu.memref_squeeze %dma_start3A_11 : memref<1x32x1000xf32, #tpu.memory_space<vmem>> -> memref<32x1000xf32, #tpu.memory_space<vmem>>
    %dma_start3A_13 = arith.constant 0 : i32
    %dma_start3A_14 = tpu.memref_slice %arg5[%dma_start3A_13] : memref<640xi32, #tpu.memory_space<vmem>> -> memref<32xi32, #tpu.memory_space<vmem>>
    %dma_start3A_15 = arith.constant 0 : i32
    %dma_start3A_16 = arith.constant 0 : i32
    %dma_start3A_17 = tpu.memref_slice %arg7[%dma_start3A_15, %dma_start3A_16] : memref<1000x1000xf32, #tpu.memory_space<vmem_shared>> -> memref<1000x1000xf32, #tpu.memory_space<vmem_shared>>
    tpu.enqueue_indirect_dma source(%dma_start3A_17 : memref<1000x1000xf32, #tpu.memory_space<vmem_shared>>) target(%dma_start3A_12 : memref<32x1000xf32, #tpu.memory_space<vmem>>) offsets(%dma_start3A_14 : memref<32xi32, #tpu.memory_space<vmem>>) semaphore(%arg8 : memref<!tpu.dma_semaphore, #tpu.memory_space<semaphore_mem>>)
    %dma_wait3A = arith.constant 0 : i32
    %dma_wait3A_18 = arith.constant 0 : i32
    %dma_wait3A_19 = arith.constant 0 : i32
    %dma_wait3A_20 = tpu.memref_slice %arg6[%dma_wait3A, %dma_wait3A_18, %dma_wait3A_19] : memref<2x32x1000xf32, #tpu.memory_space<vmem>> -> memref<1x32x1000xf32, #tpu.memory_space<vmem>>
    %dma_wait3A_21 = tpu.memref_squeeze %dma_wait3A_20 : memref<1x32x1000xf32, #tpu.memory_space<vmem>> -> memref<32x1000xf32, #tpu.memory_space<vmem>>
    %dma_wait3A_22 = arith.constant 0 : i32
    %dma_wait3A_23 = tpu.memref_slice %arg5[%dma_wait3A_22] : memref<640xi32, #tpu.memory_space<vmem>> -> memref<32xi32, #tpu.memory_space<vmem>>
    %dma_wait3A_24 = arith.constant 0 : i32
    %dma_wait3A_25 = arith.constant 0 : i32
    %dma_wait3A_26 = tpu.memref_slice %arg7[%dma_wait3A_24, %dma_wait3A_25] : memref<1000x1000xf32, #tpu.memory_space<vmem_shared>> -> memref<1000x1000xf32, #tpu.memory_space<vmem_shared>>
    tpu.wait_indirect_dma semaphore(%arg8 : memref<!tpu.dma_semaphore, #tpu.memory_space<semaphore_mem>>) src(%dma_wait3A_26 : memref<1000x1000xf32, #tpu.memory_space<vmem_shared>>) dst(%dma_wait3A_21 : memref<32x1000xf32, #tpu.memory_space<vmem>>)
    %dma_start3A_27 = arith.constant 1 : i32
    %dma_start3A_28 = arith.constant 0 : i32
    %dma_start3A_29 = arith.constant 0 : i32
    %dma_start3A_30 = tpu.memref_slice %arg6[%dma_start3A_27, %dma_start3A_28, %dma_start3A_29] : memref<2x32x1000xf32, #tpu.memory_space<vmem>> -> memref<1x32x1000xf32, #tpu.memory_space<vmem>>
    %dma_start3A_31 = tpu.memref_squeeze %dma_start3A_30 : memref<1x32x1000xf32, #tpu.memory_space<vmem>> -> memref<32x1000xf32, #tpu.memory_space<vmem>>
    %dma_start3A_32 = arith.constant 32 : i32
    %dma_start3A_33 = tpu.memref_slice %arg5[%dma_start3A_32] : memref<640xi32, #tpu.memory_space<vmem>> -> memref<32xi32, #tpu.memory_space<vmem>>
    %dma_start3A_34 = arith.constant 0 : i32
    %dma_start3A_35 = arith.constant 0 : i32
    %dma_start3A_36 = tpu.memref_slice %arg7[%dma_start3A_34, %dma_start3A_35] : memref<1000x1000xf32, #tpu.memory_space<vmem_shared>> -> memref<1000x1000xf32, #tpu.memory_space<vmem_shared>>
    tpu.enqueue_indirect_dma source(%dma_start3A_36 : memref<1000x1000xf32, #tpu.memory_space<vmem_shared>>) target(%dma_start3A_31 : memref<32x1000xf32, #tpu.memory_space<vmem>>) offsets(%dma_start3A_33 : memref<32xi32, #tpu.memory_space<vmem>>) semaphore(%arg9 : memref<!tpu.dma_semaphore, #tpu.memory_space<semaphore_mem>>)
    %add3A_37 = arith.constant 0 : i32
    %add3A_38 = arith.addi %mul3A_2, %add3A_37 : i32
    %dma_start3A_39 = arith.constant 0 : i32
    %dma_start3A_40 = arith.constant 0 : i32
    %dma_start3A_41 = arith.constant 0 : i32
    %dma_start3A_42 = tpu.memref_slice %arg6[%dma_start3A_39, %dma_start3A_40, %dma_start3A_41] : memref<2x32x1000xf32, #tpu.memory_space<vmem>> -> memref<1x32x1000xf32, #tpu.memory_space<vmem>>
    %dma_start3A_43 = tpu.memref_squeeze %dma_start3A_42 : memref<1x32x1000xf32, #tpu.memory_space<vmem>> -> memref<32x1000xf32, #tpu.memory_space<vmem>>
    %dma_start3A_44 = arith.constant 0 : i32
    %dma_start3A_45 = tpu.memref_slice %arg4[%add3A_38, %dma_start3A_44] : memref<20480x1000xf32, #tpu.memory_space<hbm>> -> memref<32x1000xf32, #tpu.memory_space<hbm>>
    %dma_start3A_46 = arith.constant 0 : i32
    %dma_start3A_47 = tpu.memref_slice %arg4[%add3A_38, %dma_start3A_46] : memref<20480x1000xf32, #tpu.memory_space<hbm>> -> memref<32x1000xf32, #tpu.memory_space<hbm>>
    %dma_start3A_48 = arith.constant 0 : i32
    %dma_start3A_49 = arith.constant 0 : i32
    %dma_start3A_50 = tpu.memref_slice %arg6[%dma_start3A_39, %dma_start3A_48, %dma_start3A_49] : memref<2x32x1000xf32, #tpu.memory_space<vmem>> -> memref<1x32x1000xf32, #tpu.memory_space<vmem>>
    %dma_start3A_51 = tpu.memref_squeeze %dma_start3A_50 : memref<1x32x1000xf32, #tpu.memory_space<vmem>> -> memref<32x1000xf32, #tpu.memory_space<vmem>>
    tpu.enqueue_dma source(%dma_start3A_51 : memref<32x1000xf32, #tpu.memory_space<vmem>>) target(%dma_start3A_47 : memref<32x1000xf32, #tpu.memory_space<hbm>>) target_semaphore(%arg10 : memref<!tpu.dma_semaphore, #tpu.memory_space<semaphore_mem>>)
    %dma_wait3A_52 = arith.constant 1 : i32
    %dma_wait3A_53 = arith.constant 0 : i32
    %dma_wait3A_54 = arith.constant 0 : i32
    %dma_wait3A_55 = tpu.memref_slice %arg6[%dma_wait3A_52, %dma_wait3A_53, %dma_wait3A_54] : memref<2x32x1000xf32, #tpu.memory_space<vmem>> -> memref<1x32x1000xf32, #tpu.memory_space<vmem>>
    %dma_wait3A_56 = tpu.memref_squeeze %dma_wait3A_55 : memref<1x32x1000xf32, #tpu.memory_space<vmem>> -> memref<32x1000xf32, #tpu.memory_space<vmem>>
    %dma_wait3A_57 = arith.constant 32 : i32
    %dma_wait3A_58 = tpu.memref_slice %arg5[%dma_wait3A_57] : memref<640xi32, #tpu.memory_space<vmem>> -> memref<32xi32, #tpu.memory_space<vmem>>
    %dma_wait3A_59 = arith.constant 0 : i32
    %dma_wait3A_60 = arith.constant 0 : i32
    %dma_wait3A_61 = tpu.memref_slice %arg7[%dma_wait3A_59, %dma_wait3A_60] : memref<1000x1000xf32, #tpu.memory_space<vmem_shared>> -> memref<1000x1000xf32, #tpu.memory_space<vmem_shared>>
    tpu.wait_indirect_dma semaphore(%arg9 : memref<!tpu.dma_semaphore, #tpu.memory_space<semaphore_mem>>) src(%dma_wait3A_61 : memref<1000x1000xf32, #tpu.memory_space<vmem_shared>>) dst(%dma_wait3A_56 : memref<32x1000xf32, #tpu.memory_space<vmem>>)
    %dma_wait3A_62 = arith.constant 0 : i32
    %dma_wait3A_63 = arith.constant 0 : i32
    %dma_wait3A_64 = arith.constant 0 : i32
    %dma_wait3A_65 = tpu.memref_slice %arg6[%dma_wait3A_62, %dma_wait3A_63, %dma_wait3A_64] : memref<2x32x1000xf32, #tpu.memory_space<vmem>> -> memref<1x32x1000xf32, #tpu.memory_space<vmem>>
    %dma_wait3A_66 = tpu.memref_squeeze %dma_wait3A_65 : memref<1x32x1000xf32, #tpu.memory_space<vmem>> -> memref<32x1000xf32, #tpu.memory_space<vmem>>
    %dma_wait3A_67 = arith.constant 0 : i32
    %dma_wait3A_68 = tpu.memref_slice %arg4[%add3A_38, %dma_wait3A_67] : memref<20480x1000xf32, #tpu.memory_space<hbm>> -> memref<32x1000xf32, #tpu.memory_space<hbm>>
    %dma_wait3A_69 = arith.constant 0 : i32
    %dma_wait3A_70 = tpu.memref_slice %arg4[%add3A_38, %dma_wait3A_69] : memref<20480x1000xf32, #tpu.memory_space<hbm>> -> memref<32x1000xf32, #tpu.memory_space<hbm>>
    %dma_wait3A_71 = arith.constant 0 : i32
    %dma_wait3A_72 = arith.constant 0 : i32
    %dma_wait3A_73 = tpu.memref_slice %arg6[%dma_wait3A_62, %dma_wait3A_71, %dma_wait3A_72] : memref<2x32x1000xf32, #tpu.memory_space<vmem>> -> memref<1x32x1000xf32, #tpu.memory_space<vmem>>
    %dma_wait3A_74 = tpu.memref_squeeze %dma_wait3A_73 : memref<1x32x1000xf32, #tpu.memory_space<vmem>> -> memref<32x1000xf32, #tpu.memory_space<vmem>>
    tpu.wait_dma2 semaphore(%arg10 : memref<!tpu.dma_semaphore, #tpu.memory_space<semaphore_mem>>) src(%dma_wait3A_74 : memref<32x1000xf32, #tpu.memory_space<vmem>>) dst(%dma_wait3A_70 : memref<32x1000xf32, #tpu.memory_space<hbm>>)
    %dma_start3A_75 = arith.constant 0 : i32
    %dma_start3A_76 = arith.constant 0 : i32
    %dma_start3A_77 = arith.constant 0 : i32
    %dma_start3A_78 = tpu.memref_slice %arg6[%dma_start3A_75, %dma_start3A_76, %dma_start3A_77] : memref<2x32x1000xf32, #tpu.memory_space<vmem>> -> memref<1x32x1000xf32, #tpu.memory_space<vmem>>
    %dma_start3A_79 = tpu.memref_squeeze %dma_start3A_78 : memref<1x32x1000xf32, #tpu.memory_space<vmem>> -> memref<32x1000xf32, #tpu.memory_space<vmem>>
    %dma_start3A_80 = arith.constant 64 : i32
    %dma_start3A_81 = tpu.memref_slice %arg5[%dma_start3A_80] : memref<640xi32, #tpu.memory_space<vmem>> -> memref<32xi32, #tpu.memory_space<vmem>>
    %dma_start3A_82 = arith.constant 0 : i32
    %dma_start3A_83 = arith.constant 0 : i32
    %dma_start3A_84 = tpu.memref_slice %arg7[%dma_start3A_82, %dma_start3A_83] : memref<1000x1000xf32, #tpu.memory_space<vmem_shared>> -> memref<1000x1000xf32, #tpu.memory_space<vmem_shared>>
    tpu.enqueue_indirect_dma source(%dma_start3A_84 : memref<1000x1000xf32, #tpu.memory_space<vmem_shared>>) target(%dma_start3A_79 : memref<32x1000xf32, #tpu.memory_space<vmem>>) offsets(%dma_start3A_81 : memref<32xi32, #tpu.memory_space<vmem>>) semaphore(%arg8 : memref<!tpu.dma_semaphore, #tpu.memory_space<semaphore_mem>>)
    %add3A_85 = arith.constant 32 : i32
    %add3A_86 = arith.addi %mul3A_2, %add3A_85 : i32
    %dma_start3A_87 = arith.constant 1 : i32
    %dma_start3A_88 = arith.constant 0 : i32
    %dma_start3A_89 = arith.constant 0 : i32
    %dma_start3A_90 = tpu.memref_slice %arg6[%dma_start3A_87, %dma_start3A_88, %dma_start3A_89] : memref<2x32x1000xf32, #tpu.memory_space<vmem>> -> memref<1x32x1000xf32, #tpu.memory_space<vmem>>
    %dma_start3A_91 = tpu.memref_squeeze %dma_start3A_90 : memref<1x32x1000xf32, #tpu.memory_space<vmem>> -> memref<32x1000xf32, #tpu.memory_space<vmem>>
    %dma_start3A_92 = arith.constant 0 : i32
    %dma_start3A_93 = tpu.memref_slice %arg4[%add3A_86, %dma_start3A_92] : memref<20480x1000xf32, #tpu.memory_space<hbm>> -> memref<32x1000xf32, #tpu.memory_space<hbm>>
    %dma_start3A_94 = arith.constant 0 : i32
    %dma_start3A_95 = tpu.memref_slice %arg4[%add3A_86, %dma_start3A_94] : memref<20480x1000xf32, #tpu.memory_space<hbm>> -> memref<32x1000xf32, #tpu.memory_space<hbm>>
    %dma_start3A_96 = arith.constant 0 : i32
    %dma_start3A_97 = arith.constant 0 : i32
    %dma_start3A_98 = tpu.memref_slice %arg6[%dma_start3A_87, %dma_start3A_96, %dma_start3A_97] : memref<2x32x1000xf32, #tpu.memory_space<vmem>> -> memref<1x32x1000xf32, #tpu.memory_space<vmem>>
    %dma_start3A_99 = tpu.memref_squeeze %dma_start3A_98 : memref<1x32x1000xf32, #tpu.memory_space<vmem>> -> memref<32x1000xf32, #tpu.memory_space<vmem>>
    tpu.enqueue_dma source(%dma_start3A_99 : memref<32x1000xf32, #tpu.memory_space<vmem>>) target(%dma_start3A_95 : memref<32x1000xf32, #tpu.memory_space<hbm>>) target_semaphore(%arg11 : memref<!tpu.dma_semaphore, #tpu.memory_space<semaphore_mem>>)
    %dma_wait3A_100 = arith.constant 0 : i32
    %dma_wait3A_101 = arith.constant 0 : i32
    %dma_wait3A_102 = arith.constant 0 : i32
    %dma_wait3A_103 = tpu.memref_slice %arg6[%dma_wait3A_100, %dma_wait3A_101, %dma_wait3A_102] : memref<2x32x1000xf32, #tpu.memory_space<vmem>> -> memref<1x32x1000xf32, #tpu.memory_space<vmem>>
    %dma_wait3A_104 = tpu.memref_squeeze %dma_wait3A_103 : memref<1x32x1000xf32, #tpu.memory_space<vmem>> -> memref<32x1000xf32, #tpu.memory_space<vmem>>
    %dma_wait3A_105 = arith.constant 64 : i32
    %dma_wait3A_106 = tpu.memref_slice %arg5[%dma_wait3A_105] : memref<640xi32, #tpu.memory_space<vmem>> -> memref<32xi32, #tpu.memory_space<vmem>>
    %dma_wait3A_107 = arith.constant 0 : i32
    %dma_wait3A_108 = arith.constant 0 : i32
    %dma_wait3A_109 = tpu.memref_slice %arg7[%dma_wait3A_107, %dma_wait3A_108] : memref<1000x1000xf32, #tpu.memory_space<vmem_shared>> -> memref<1000x1000xf32, #tpu.memory_space<vmem_shared>>
    tpu.wait_indirect_dma semaphore(%arg8 : memref<!tpu.dma_semaphore, #tpu.memory_space<semaphore_mem>>) src(%dma_wait3A_109 : memref<1000x1000xf32, #tpu.memory_space<vmem_shared>>) dst(%dma_wait3A_104 : memref<32x1000xf32, #tpu.memory_space<vmem>>)
    %dma_wait3A_110 = arith.constant 1 : i32
    %dma_wait3A_111 = arith.constant 0 : i32
    %dma_wait3A_112 = arith.constant 0 : i32
    %dma_wait3A_113 = tpu.memref_slice %arg6[%dma_wait3A_110, %dma_wait3A_111, %dma_wait3A_112] : memref<2x32x1000xf32, #tpu.memory_space<vmem>> -> memref<1x32x1000xf32, #tpu.memory_space<vmem>>
    %dma_wait3A_114 = tpu.memref_squeeze %dma_wait3A_113 : memref<1x32x1000xf32, #tpu.memory_space<vmem>> -> memref<32x1000xf32, #tpu.memory_space<vmem>>
    %dma_wait3A_115 = arith.constant 0 : i32
    %dma_wait3A_116 = tpu.memref_slice %arg4[%add3A_86, %dma_wait3A_115] : memref<20480x1000xf32, #tpu.memory_space<hbm>> -> memref<32x1000xf32, #tpu.memory_space<hbm>>
    %dma_wait3A_117 = arith.constant 0 : i32
    %dma_wait3A_118 = tpu.memref_slice %arg4[%add3A_86, %dma_wait3A_117] : memref<20480x1000xf32, #tpu.memory_space<hbm>> -> memref<32x1000xf32, #tpu.memory_space<hbm>>
    %dma_wait3A_119 = arith.constant 0 : i32
    %dma_wait3A_120 = arith.constant 0 : i32
    %dma_wait3A_121 = tpu.memref_slice %arg6[%dma_wait3A_110, %dma_wait3A_119, %dma_wait3A_120] : memref<2x32x1000xf32, #tpu.memory_space<vmem>> -> memref<1x32x1000xf32, #tpu.memory_space<vmem>>
    %dma_wait3A_122 = tpu.memref_squeeze %dma_wait3A_121 : memref<1x32x1000xf32, #tpu.memory_space<vmem>> -> memref<32x1000xf32, #tpu.memory_space<vmem>>
    tpu.wait_dma2 semaphore(%arg11 : memref<!tpu.dma_semaphore, #tpu.memory_space<semaphore_mem>>) src(%dma_wait3A_122 : memref<32x1000xf32, #tpu.memory_space<vmem>>) dst(%dma_wait3A_118 : memref<32x1000xf32, #tpu.memory_space<hbm>>)
    %dma_start3A_123 = arith.constant 1 : i32
    %dma_start3A_124 = arith.constant 0 : i32
    %dma_start3A_125 = arith.constant 0 : i32
    %dma_start3A_126 = tpu.memref_slice %arg6[%dma_start3A_123, %dma_start3A_124, %dma_start3A_125] : memref<2x32x1000xf32, #tpu.memory_space<vmem>> -> memref<1x32x1000xf32, #tpu.memory_space<vmem>>
    %dma_start3A_127 = tpu.memref_squeeze %dma_start3A_126 : memref<1x32x1000xf32, #tpu.memory_space<vmem>> -> memref<32x1000xf32, #tpu.memory_space<vmem>>
    %dma_start3A_128 = arith.constant 96 : i32
    %dma_start3A_129 = tpu.memref_slice %arg5[%dma_start3A_128] : memref<640xi32, #tpu.memory_space<vmem>> -> memref<32xi32, #tpu.memory_space<vmem>>
    %dma_start3A_130 = arith.constant 0 : i32
    %dma_start3A_131 = arith.constant 0 : i32
    %dma_start3A_132 = tpu.memref_slice %arg7[%dma_start3A_130, %dma_start3A_131] : memref<1000x1000xf32, #tpu.memory_space<vmem_shared>> -> memref<1000x1000xf32, #tpu.memory_space<vmem_shared>>
    tpu.enqueue_indirect_dma source(%dma_start3A_132 : memref<1000x1000xf32, #tpu.memory_space<vmem_shared>>) target(%dma_start3A_127 : memref<32x1000xf32, #tpu.memory_space<vmem>>) offsets(%dma_start3A_129 : memref<32xi32, #tpu.memory_space<vmem>>) semaphore(%arg9 : memref<!tpu.dma_semaphore, #tpu.memory_space<semaphore_mem>>)
    %add3A_133 = arith.constant 64 : i32
    %add3A_134 = arith.addi %mul3A_2, %add3A_133 : i32
    %dma_start3A_135 = arith.constant 0 : i32
    %dma_start3A_136 = arith.constant 0 : i32
    %dma_start3A_137 = arith.constant 0 : i32
    %dma_start3A_138 = tpu.memref_slice %arg6[%dma_start3A_135, %dma_start3A_136, %dma_start3A_137] : memref<2x32x1000xf32, #tpu.memory_space<vmem>> -> memref<1x32x1000xf32, #tpu.memory_space<vmem>>
    %dma_start3A_139 = tpu.memref_squeeze %dma_start3A_138 : memref<1x32x1000xf32, #tpu.memory_space<vmem>> -> memref<32x1000xf32, #tpu.memory_space<vmem>>
    %dma_start3A_140 = arith.constant 0 : i32
    %dma_start3A_141 = tpu.memref_slice %arg4[%add3A_134, %dma_start3A_140] : memref<20480x1000xf32, #tpu.memory_space<hbm>> -> memref<32x1000xf32, #tpu.memory_space<hbm>>
    %dma_start3A_142 = arith.constant 0 : i32
    %dma_start3A_143 = tpu.memref_slice %arg4[%add3A_134, %dma_start3A_142] : memref<20480x1000xf32, #tpu.memory_space<hbm>> -> memref<32x1000xf32, #tpu.memory_space<hbm>>
    %dma_start3A_144 = arith.constant 0 : i32
    %dma_start3A_145 = arith.constant 0 : i32
    %dma_start3A_146 = tpu.memref_slice %arg6[%dma_start3A_135, %dma_start3A_144, %dma_start3A_145] : memref<2x32x1000xf32, #tpu.memory_space<vmem>> -> memref<1x32x1000xf32, #tpu.memory_space<vmem>>
    %dma_start3A_147 = tpu.memref_squeeze %dma_start3A_146 : memref<1x32x1000xf32, #tpu.memory_space<vmem>> -> memref<32x1000xf32, #tpu.memory_space<vmem>>
    tpu.enqueue_dma source(%dma_start3A_147 : memref<32x1000xf32, #tpu.memory_space<vmem>>) target(%dma_start3A_143 : memref<32x1000xf32, #tpu.memory_space<hbm>>) target_semaphore(%arg10 : memref<!tpu.dma_semaphore, #tpu.memory_space<semaphore_mem>>)
    %dma_wait3A_148 = arith.constant 1 : i32
    %dma_wait3A_149 = arith.constant 0 : i32
    %dma_wait3A_150 = arith.constant 0 : i32
    %dma_wait3A_151 = tpu.memref_slice %arg6[%dma_wait3A_148, %dma_wait3A_149, %dma_wait3A_150] : memref<2x32x1000xf32, #tpu.memory_space<vmem>> -> memref<1x32x1000xf32, #tpu.memory_space<vmem>>
    %dma_wait3A_152 = tpu.memref_squeeze %dma_wait3A_151 : memref<1x32x1000xf32, #tpu.memory_space<vmem>> -> memref<32x1000xf32, #tpu.memory_space<vmem>>
    %dma_wait3A_153 = arith.constant 96 : i32
    %dma_wait3A_154 = tpu.memref_slice %arg5[%dma_wait3A_153] : memref<640xi32, #tpu.memory_space<vmem>> -> memref<32xi32, #tpu.memory_space<vmem>>
    %dma_wait3A_155 = arith.constant 0 : i32
    %dma_wait3A_156 = arith.constant 0 : i32
    %dma_wait3A_157 = tpu.memref_slice %arg7[%dma_wait3A_155, %dma_wait3A_156] : memref<1000x1000xf32, #tpu.memory_space<vmem_shared>> -> memref<1000x1000xf32, #tpu.memory_space<vmem_shared>>
    tpu.wait_indirect_dma semaphore(%arg9 : memref<!tpu.dma_semaphore, #tpu.memory_space<semaphore_mem>>) src(%dma_wait3A_157 : memref<1000x1000xf32, #tpu.memory_space<vmem_shared>>) dst(%dma_wait3A_152 : memref<32x1000xf32, #tpu.memory_space<vmem>>)
    %dma_wait3A_158 = arith.constant 0 : i32
    %dma_wait3A_159 = arith.constant 0 : i32
    %dma_wait3A_160 = arith.constant 0 : i32
    %dma_wait3A_161 = tpu.memref_slice %arg6[%dma_wait3A_158, %dma_wait3A_159, %dma_wait3A_160] : memref<2x32x1000xf32, #tpu.memory_space<vmem>> -> memref<1x32x1000xf32, #tpu.memory_space<vmem>>
    %dma_wait3A_162 = tpu.memref_squeeze %dma_wait3A_161 : memref<1x32x1000xf32, #tpu.memory_space<vmem>> -> memref<32x1000xf32, #tpu.memory_space<vmem>>
    %dma_wait3A_163 = arith.constant 0 : i32
    %dma_wait3A_164 = tpu.memref_slice %arg4[%add3A_134, %dma_wait3A_163] : memref<20480x1000xf32, #tpu.memory_space<hbm>> -> memref<32x1000xf32, #tpu.memory_space<hbm>>
    %dma_wait3A_165 = arith.constant 0 : i32
    %dma_wait3A_166 = tpu.memref_slice %arg4[%add3A_134, %dma_wait3A_165] : memref<20480x1000xf32, #tpu.memory_space<hbm>> -> memref<32x1000xf32, #tpu.memory_space<hbm>>
    %dma_wait3A_167 = arith.constant 0 : i32
    %dma_wait3A_168 = arith.constant 0 : i32
    %dma_wait3A_169 = tpu.memref_slice %arg6[%dma_wait3A_158, %dma_wait3A_167, %dma_wait3A_168] : memref<2x32x1000xf32, #tpu.memory_space<vmem>> -> memref<1x32x1000xf32, #tpu.memory_space<vmem>>
    %dma_wait3A_170 = tpu.memref_squeeze %dma_wait3A_169 : memref<1x32x1000xf32, #tpu.memory_space<vmem>> -> memref<32x1000xf32, #tpu.memory_space<vmem>>
    tpu.wait_dma2 semaphore(%arg10 : memref<!tpu.dma_semaphore, #tpu.memory_space<semaphore_mem>>) src(%dma_wait3A_170 : memref<32x1000xf32, #tpu.memory_space<vmem>>) dst(%dma_wait3A_166 : memref<32x1000xf32, #tpu.memory_space<hbm>>)
    %dma_start3A_171 = arith.constant 0 : i32
    %dma_start3A_172 = arith.constant 0 : i32
    %dma_start3A_173 = arith.constant 0 : i32
    %dma_start3A_174 = tpu.memref_slice %arg6[%dma_start3A_171, %dma_start3A_172, %dma_start3A_173] : memref<2x32x1000xf32, #tpu.memory_space<vmem>> -> memref<1x32x1000xf32, #tpu.memory_space<vmem>>
    %dma_start3A_175 = tpu.memref_squeeze %dma_start3A_174 : memref<1x32x1000xf32, #tpu.memory_space<vmem>> -> memref<32x1000xf32, #tpu.memory_space<vmem>>
    %dma_start3A_176 = arith.constant 128 : i32
    %dma_start3A_177 = tpu.memref_slice %arg5[%dma_start3A_176] : memref<640xi32, #tpu.memory_space<vmem>> -> memref<32xi32, #tpu.memory_space<vmem>>
    %dma_start3A_178 = arith.constant 0 : i32
    %dma_start3A_179 = arith.constant 0 : i32
    %dma_start3A_180 = tpu.memref_slice %arg7[%dma_start3A_178, %dma_start3A_179] : memref<1000x1000xf32, #tpu.memory_space<vmem_shared>> -> memref<1000x1000xf32, #tpu.memory_space<vmem_shared>>
    tpu.enqueue_indirect_dma source(%dma_start3A_180 : memref<1000x1000xf32, #tpu.memory_space<vmem_shared>>) target(%dma_start3A_175 : memref<32x1000xf32, #tpu.memory_space<vmem>>) offsets(%dma_start3A_177 : memref<32xi32, #tpu.memory_space<vmem>>) semaphore(%arg8 : memref<!tpu.dma_semaphore, #tpu.memory_space<semaphore_mem>>)
    %add3A_181 = arith.constant 96 : i32
    %add3A_182 = arith.addi %mul3A_2, %add3A_181 : i32
    %dma_start3A_183 = arith.constant 1 : i32
    %dma_start3A_184 = arith.constant 0 : i32
    %dma_start3A_185 = arith.constant 0 : i32
    %dma_start3A_186 = tpu.memref_slice %arg6[%dma_start3A_183, %dma_start3A_184, %dma_start3A_185] : memref<2x32x1000xf32, #tpu.memory_space<vmem>> -> memref<1x32x1000xf32, #tpu.memory_space<vmem>>
    %dma_start3A_187 = tpu.memref_squeeze %dma_start3A_186 : memref<1x32x1000xf32, #tpu.memory_space<vmem>> -> memref<32x1000xf32, #tpu.memory_space<vmem>>
    %dma_start3A_188 = arith.constant 0 : i32
    %dma_start3A_189 = tpu.memref_slice %arg4[%add3A_182, %dma_start3A_188] : memref<20480x1000xf32, #tpu.memory_space<hbm>> -> memref<32x1000xf32, #tpu.memory_space<hbm>>
    %dma_start3A_190 = arith.constant 0 : i32
    %dma_start3A_191 = tpu.memref_slice %arg4[%add3A_182, %dma_start3A_190] : memref<20480x1000xf32, #tpu.memory_space<hbm>> -> memref<32x1000xf32, #tpu.memory_space<hbm>>
    %dma_start3A_192 = arith.constant 0 : i32
    %dma_start3A_193 = arith.constant 0 : i32
    %dma_start3A_194 = tpu.memref_slice %arg6[%dma_start3A_183, %dma_start3A_192, %dma_start3A_193] : memref<2x32x1000xf32, #tpu.memory_space<vmem>> -> memref<1x32x1000xf32, #tpu.memory_space<vmem>>
    %dma_start3A_195 = tpu.memref_squeeze %dma_start3A_194 : memref<1x32x1000xf32, #tpu.memory_space<vmem>> -> memref<32x1000xf32, #tpu.memory_space<vmem>>
    tpu.enqueue_dma source(%dma_start3A_195 : memref<32x1000xf32, #tpu.memory_space<vmem>>) target(%dma_start3A_191 : memref<32x1000xf32, #tpu.memory_space<hbm>>) target_semaphore(%arg11 : memref<!tpu.dma_semaphore, #tpu.memory_space<semaphore_mem>>)
    %dma_wait3A_196 = arith.constant 0 : i32
    %dma_wait3A_197 = arith.constant 0 : i32
    %dma_wait3A_198 = arith.constant 0 : i32
    %dma_wait3A_199 = tpu.memref_slice %arg6[%dma_wait3A_196, %dma_wait3A_197, %dma_wait3A_198] : memref<2x32x1000xf32, #tpu.memory_space<vmem>> -> memref<1x32x1000xf32, #tpu.memory_space<vmem>>
    %dma_wait3A_200 = tpu.memref_squeeze %dma_wait3A_199 : memref<1x32x1000xf32, #tpu.memory_space<vmem>> -> memref<32x1000xf32, #tpu.memory_space<vmem>>
    %dma_wait3A_201 = arith.constant 128 : i32
    %dma_wait3A_202 = tpu.memref_slice %arg5[%dma_wait3A_201] : memref<640xi32, #tpu.memory_space<vmem>> -> memref<32xi32, #tpu.memory_space<vmem>>
    %dma_wait3A_203 = arith.constant 0 : i32
    %dma_wait3A_204 = arith.constant 0 : i32
    %dma_wait3A_205 = tpu.memref_slice %arg7[%dma_wait3A_203, %dma_wait3A_204] : memref<1000x1000xf32, #tpu.memory_space<vmem_shared>> -> memref<1000x1000xf32, #tpu.memory_space<vmem_shared>>
    tpu.wait_indirect_dma semaphore(%arg8 : memref<!tpu.dma_semaphore, #tpu.memory_space<semaphore_mem>>) src(%dma_wait3A_205 : memref<1000x1000xf32, #tpu.memory_space<vmem_shared>>) dst(%dma_wait3A_200 : memref<32x1000xf32, #tpu.memory_space<vmem>>)
    %dma_wait3A_206 = arith.constant 1 : i32
    %dma_wait3A_207 = arith.constant 0 : i32
    %dma_wait3A_208 = arith.constant 0 : i32
    %dma_wait3A_209 = tpu.memref_slice %arg6[%dma_wait3A_206, %dma_wait3A_207, %dma_wait3A_208] : memref<2x32x1000xf32, #tpu.memory_space<vmem>> -> memref<1x32x1000xf32, #tpu.memory_space<vmem>>
    %dma_wait3A_210 = tpu.memref_squeeze %dma_wait3A_209 : memref<1x32x1000xf32, #tpu.memory_space<vmem>> -> memref<32x1000xf32, #tpu.memory_space<vmem>>
    %dma_wait3A_211 = arith.constant 0 : i32
    %dma_wait3A_212 = tpu.memref_slice %arg4[%add3A_182, %dma_wait3A_211] : memref<20480x1000xf32, #tpu.memory_space<hbm>> -> memref<32x1000xf32, #tpu.memory_space<hbm>>
    %dma_wait3A_213 = arith.constant 0 : i32
    %dma_wait3A_214 = tpu.memref_slice %arg4[%add3A_182, %dma_wait3A_213] : memref<20480x1000xf32, #tpu.memory_space<hbm>> -> memref<32x1000xf32, #tpu.memory_space<hbm>>
    %dma_wait3A_215 = arith.constant 0 : i32
    %dma_wait3A_216 = arith.constant 0 : i32
    %dma_wait3A_217 = tpu.memref_slice %arg6[%dma_wait3A_206, %dma_wait3A_215, %dma_wait3A_216] : memref<2x32x1000xf32, #tpu.memory_space<vmem>> -> memref<1x32x1000xf32, #tpu.memory_space<vmem>>
    %dma_wait3A_218 = tpu.memref_squeeze %dma_wait3A_217 : memref<1x32x1000xf32, #tpu.memory_space<vmem>> -> memref<32x1000xf32, #tpu.memory_space<vmem>>
    tpu.wait_dma2 semaphore(%arg11 : memref<!tpu.dma_semaphore, #tpu.memory_space<semaphore_mem>>) src(%dma_wait3A_218 : memref<32x1000xf32, #tpu.memory_space<vmem>>) dst(%dma_wait3A_214 : memref<32x1000xf32, #tpu.memory_space<hbm>>)
    %dma_start3A_219 = arith.constant 1 : i32
    %dma_start3A_220 = arith.constant 0 : i32
    %dma_start3A_221 = arith.constant 0 : i32
    %dma_start3A_222 = tpu.memref_slice %arg6[%dma_start3A_219, %dma_start3A_220, %dma_start3A_221] : memref<2x32x1000xf32, #tpu.memory_space<vmem>> -> memref<1x32x1000xf32, #tpu.memory_space<vmem>>
    %dma_start3A_223 = tpu.memref_squeeze %dma_start3A_222 : memref<1x32x1000xf32, #tpu.memory_space<vmem>> -> memref<32x1000xf32, #tpu.memory_space<vmem>>
    %dma_start3A_224 = arith.constant 160 : i32
    %dma_start3A_225 = tpu.memref_slice %arg5[%dma_start3A_224] : memref<640xi32, #tpu.memory_space<vmem>> -> memref<32xi32, #tpu.memory_space<vmem>>
    %dma_start3A_226 = arith.constant 0 : i32
    %dma_start3A_227 = arith.constant 0 : i32
    %dma_start3A_228 = tpu.memref_slice %arg7[%dma_start3A_226, %dma_start3A_227] : memref<1000x1000xf32, #tpu.memory_space<vmem_shared>> -> memref<1000x1000xf32, #tpu.memory_space<vmem_shared>>
    tpu.enqueue_indirect_dma source(%dma_start3A_228 : memref<1000x1000xf32, #tpu.memory_space<vmem_shared>>) target(%dma_start3A_223 : memref<32x1000xf32, #tpu.memory_space<vmem>>) offsets(%dma_start3A_225 : memref<32xi32, #tpu.memory_space<vmem>>) semaphore(%arg9 : memref<!tpu.dma_semaphore, #tpu.memory_space<semaphore_mem>>)
    %add3A_229 = arith.constant 128 : i32
    %add3A_230 = arith.addi %mul3A_2, %add3A_229 : i32
    %dma_start3A_231 = arith.constant 0 : i32
    %dma_start3A_232 = arith.constant 0 : i32
    %dma_start3A_233 = arith.constant 0 : i32
    %dma_start3A_234 = tpu.memref_slice %arg6[%dma_start3A_231, %dma_start3A_232, %dma_start3A_233] : memref<2x32x1000xf32, #tpu.memory_space<vmem>> -> memref<1x32x1000xf32, #tpu.memory_space<vmem>>
    %dma_start3A_235 = tpu.memref_squeeze %dma_start3A_234 : memref<1x32x1000xf32, #tpu.memory_space<vmem>> -> memref<32x1000xf32, #tpu.memory_space<vmem>>
    %dma_start3A_236 = arith.constant 0 : i32
    %dma_start3A_237 = tpu.memref_slice %arg4[%add3A_230, %dma_start3A_236] : memref<20480x1000xf32, #tpu.memory_space<hbm>> -> memref<32x1000xf32, #tpu.memory_space<hbm>>
    %dma_start3A_238 = arith.constant 0 : i32
    %dma_start3A_239 = tpu.memref_slice %arg4[%add3A_230, %dma_start3A_238] : memref<20480x1000xf32, #tpu.memory_space<hbm>> -> memref<32x1000xf32, #tpu.memory_space<hbm>>
    %dma_start3A_240 = arith.constant 0 : i32
    %dma_start3A_241 = arith.constant 0 : i32
    %dma_start3A_242 = tpu.memref_slice %arg6[%dma_start3A_231, %dma_start3A_240, %dma_start3A_241] : memref<2x32x1000xf32, #tpu.memory_space<vmem>> -> memref<1x32x1000xf32, #tpu.memory_space<vmem>>
    %dma_start3A_243 = tpu.memref_squeeze %dma_start3A_242 : memref<1x32x1000xf32, #tpu.memory_space<vmem>> -> memref<32x1000xf32, #tpu.memory_space<vmem>>
    tpu.enqueue_dma source(%dma_start3A_243 : memref<32x1000xf32, #tpu.memory_space<vmem>>) target(%dma_start3A_239 : memref<32x1000xf32, #tpu.memory_space<hbm>>) target_semaphore(%arg10 : memref<!tpu.dma_semaphore, #tpu.memory_space<semaphore_mem>>)
    %dma_wait3A_244 = arith.constant 1 : i32
    %dma_wait3A_245 = arith.constant 0 : i32
    %dma_wait3A_246 = arith.constant 0 : i32
    %dma_wait3A_247 = tpu.memref_slice %arg6[%dma_wait3A_244, %dma_wait3A_245, %dma_wait3A_246] : memref<2x32x1000xf32, #tpu.memory_space<vmem>> -> memref<1x32x1000xf32, #tpu.memory_space<vmem>>
    %dma_wait3A_248 = tpu.memref_squeeze %dma_wait3A_247 : memref<1x32x1000xf32, #tpu.memory_space<vmem>> -> memref<32x1000xf32, #tpu.memory_space<vmem>>
    %dma_wait3A_249 = arith.constant 160 : i32
    %dma_wait3A_250 = tpu.memref_slice %arg5[%dma_wait3A_249] : memref<640xi32, #tpu.memory_space<vmem>> -> memref<32xi32, #tpu.memory_space<vmem>>
    %dma_wait3A_251 = arith.constant 0 : i32
    %dma_wait3A_252 = arith.constant 0 : i32
    %dma_wait3A_253 = tpu.memref_slice %arg7[%dma_wait3A_251, %dma_wait3A_252] : memref<1000x1000xf32, #tpu.memory_space<vmem_shared>> -> memref<1000x1000xf32, #tpu.memory_space<vmem_shared>>
    tpu.wait_indirect_dma semaphore(%arg9 : memref<!tpu.dma_semaphore, #tpu.memory_space<semaphore_mem>>) src(%dma_wait3A_253 : memref<1000x1000xf32, #tpu.memory_space<vmem_shared>>) dst(%dma_wait3A_248 : memref<32x1000xf32, #tpu.memory_space<vmem>>)
    %dma_wait3A_254 = arith.constant 0 : i32
    %dma_wait3A_255 = arith.constant 0 : i32
    %dma_wait3A_256 = arith.constant 0 : i32
    %dma_wait3A_257 = tpu.memref_slice %arg6[%dma_wait3A_254, %dma_wait3A_255, %dma_wait3A_256] : memref<2x32x1000xf32, #tpu.memory_space<vmem>> -> memref<1x32x1000xf32, #tpu.memory_space<vmem>>
    %dma_wait3A_258 = tpu.memref_squeeze %dma_wait3A_257 : memref<1x32x1000xf32, #tpu.memory_space<vmem>> -> memref<32x1000xf32, #tpu.memory_space<vmem>>
    %dma_wait3A_259 = arith.constant 0 : i32
    %dma_wait3A_260 = tpu.memref_slice %arg4[%add3A_230, %dma_wait3A_259] : memref<20480x1000xf32, #tpu.memory_space<hbm>> -> memref<32x1000xf32, #tpu.memory_space<hbm>>
    %dma_wait3A_261 = arith.constant 0 : i32
    %dma_wait3A_262 = tpu.memref_slice %arg4[%add3A_230, %dma_wait3A_261] : memref<20480x1000xf32, #tpu.memory_space<hbm>> -> memref<32x1000xf32, #tpu.memory_space<hbm>>
    %dma_wait3A_263 = arith.constant 0 : i32
    %dma_wait3A_264 = arith.constant 0 : i32
    %dma_wait3A_265 = tpu.memref_slice %arg6[%dma_wait3A_254, %dma_wait3A_263, %dma_wait3A_264] : memref<2x32x1000xf32, #tpu.memory_space<vmem>> -> memref<1x32x1000xf32, #tpu.memory_space<vmem>>
    %dma_wait3A_266 = tpu.memref_squeeze %dma_wait3A_265 : memref<1x32x1000xf32, #tpu.memory_space<vmem>> -> memref<32x1000xf32, #tpu.memory_space<vmem>>
    tpu.wait_dma2 semaphore(%arg10 : memref<!tpu.dma_semaphore, #tpu.memory_space<semaphore_mem>>) src(%dma_wait3A_266 : memref<32x1000xf32, #tpu.memory_space<vmem>>) dst(%dma_wait3A_262 : memref<32x1000xf32, #tpu.memory_space<hbm>>)
    %dma_start3A_267 = arith.constant 0 : i32
    %dma_start3A_268 = arith.constant 0 : i32
    %dma_start3A_269 = arith.constant 0 : i32
    %dma_start3A_270 = tpu.memref_slice %arg6[%dma_start3A_267, %dma_start3A_268, %dma_start3A_269] : memref<2x32x1000xf32, #tpu.memory_space<vmem>> -> memref<1x32x1000xf32, #tpu.memory_space<vmem>>
    %dma_start3A_271 = tpu.memref_squeeze %dma_start3A_270 : memref<1x32x1000xf32, #tpu.memory_space<vmem>> -> memref<32x1000xf32, #tpu.memory_space<vmem>>
    %dma_start3A_272 = arith.constant 192 : i32
    %dma_start3A_273 = tpu.memref_slice %arg5[%dma_start3A_272] : memref<640xi32, #tpu.memory_space<vmem>> -> memref<32xi32, #tpu.memory_space<vmem>>
    %dma_start3A_274 = arith.constant 0 : i32
    %dma_start3A_275 = arith.constant 0 : i32
    %dma_start3A_276 = tpu.memref_slice %arg7[%dma_start3A_274, %dma_start3A_275] : memref<1000x1000xf32, #tpu.memory_space<vmem_shared>> -> memref<1000x1000xf32, #tpu.memory_space<vmem_shared>>
    tpu.enqueue_indirect_dma source(%dma_start3A_276 : memref<1000x1000xf32, #tpu.memory_space<vmem_shared>>) target(%dma_start3A_271 : memref<32x1000xf32, #tpu.memory_space<vmem>>) offsets(%dma_start3A_273 : memref<32xi32, #tpu.memory_space<vmem>>) semaphore(%arg8 : memref<!tpu.dma_semaphore, #tpu.memory_space<semaphore_mem>>)
    %add3A_277 = arith.constant 160 : i32
    %add3A_278 = arith.addi %mul3A_2, %add3A_277 : i32
    %dma_start3A_279 = arith.constant 1 : i32
    %dma_start3A_280 = arith.constant 0 : i32
    %dma_start3A_281 = arith.constant 0 : i32
    %dma_start3A_282 = tpu.memref_slice %arg6[%dma_start3A_279, %dma_start3A_280, %dma_start3A_281] : memref<2x32x1000xf32, #tpu.memory_space<vmem>> -> memref<1x32x1000xf32, #tpu.memory_space<vmem>>
    %dma_start3A_283 = tpu.memref_squeeze %dma_start3A_282 : memref<1x32x1000xf32, #tpu.memory_space<vmem>> -> memref<32x1000xf32, #tpu.memory_space<vmem>>
    %dma_start3A_284 = arith.constant 0 : i32
    %dma_start3A_285 = tpu.memref_slice %arg4[%add3A_278, %dma_start3A_284] : memref<20480x1000xf32, #tpu.memory_space<hbm>> -> memref<32x1000xf32, #tpu.memory_space<hbm>>
    %dma_start3A_286 = arith.constant 0 : i32
    %dma_start3A_287 = tpu.memref_slice %arg4[%add3A_278, %dma_start3A_286] : memref<20480x1000xf32, #tpu.memory_space<hbm>> -> memref<32x1000xf32, #tpu.memory_space<hbm>>
    %dma_start3A_288 = arith.constant 0 : i32
    %dma_start3A_289 = arith.constant 0 : i32
    %dma_start3A_290 = tpu.memref_slice %arg6[%dma_start3A_279, %dma_start3A_288, %dma_start3A_289] : memref<2x32x1000xf32, #tpu.memory_space<vmem>> -> memref<1x32x1000xf32, #tpu.memory_space<vmem>>
    %dma_start3A_291 = tpu.memref_squeeze %dma_start3A_290 : memref<1x32x1000xf32, #tpu.memory_space<vmem>> -> memref<32x1000xf32, #tpu.memory_space<vmem>>
    tpu.enqueue_dma source(%dma_start3A_291 : memref<32x1000xf32, #tpu.memory_space<vmem>>) target(%dma_start3A_287 : memref<32x1000xf32, #tpu.memory_space<hbm>>) target_semaphore(%arg11 : memref<!tpu.dma_semaphore, #tpu.memory_space<semaphore_mem>>)
    %dma_wait3A_292 = arith.constant 0 : i32
    %dma_wait3A_293 = arith.constant 0 : i32
    %dma_wait3A_294 = arith.constant 0 : i32
    %dma_wait3A_295 = tpu.memref_slice %arg6[%dma_wait3A_292, %dma_wait3A_293, %dma_wait3A_294] : memref<2x32x1000xf32, #tpu.memory_space<vmem>> -> memref<1x32x1000xf32, #tpu.memory_space<vmem>>
    %dma_wait3A_296 = tpu.memref_squeeze %dma_wait3A_295 : memref<1x32x1000xf32, #tpu.memory_space<vmem>> -> memref<32x1000xf32, #tpu.memory_space<vmem>>
    %dma_wait3A_297 = arith.constant 192 : i32
    %dma_wait3A_298 = tpu.memref_slice %arg5[%dma_wait3A_297] : memref<640xi32, #tpu.memory_space<vmem>> -> memref<32xi32, #tpu.memory_space<vmem>>
    %dma_wait3A_299 = arith.constant 0 : i32
    %dma_wait3A_300 = arith.constant 0 : i32
    %dma_wait3A_301 = tpu.memref_slice %arg7[%dma_wait3A_299, %dma_wait3A_300] : memref<1000x1000xf32, #tpu.memory_space<vmem_shared>> -> memref<1000x1000xf32, #tpu.memory_space<vmem_shared>>
    tpu.wait_indirect_dma semaphore(%arg8 : memref<!tpu.dma_semaphore, #tpu.memory_space<semaphore_mem>>) src(%dma_wait3A_301 : memref<1000x1000xf32, #tpu.memory_space<vmem_shared>>) dst(%dma_wait3A_296 : memref<32x1000xf32, #tpu.memory_space<vmem>>)
    %dma_wait3A_302 = arith.constant 1 : i32
    %dma_wait3A_303 = arith.constant 0 : i32
    %dma_wait3A_304 = arith.constant 0 : i32
    %dma_wait3A_305 = tpu.memref_slice %arg6[%dma_wait3A_302, %dma_wait3A_303, %dma_wait3A_304] : memref<2x32x1000xf32, #tpu.memory_space<vmem>> -> memref<1x32x1000xf32, #tpu.memory_space<vmem>>
    %dma_wait3A_306 = tpu.memref_squeeze %dma_wait3A_305 : memref<1x32x1000xf32, #tpu.memory_space<vmem>> -> memref<32x1000xf32, #tpu.memory_space<vmem>>
    %dma_wait3A_307 = arith.constant 0 : i32
    %dma_wait3A_308 = tpu.memref_slice %arg4[%add3A_278, %dma_wait3A_307] : memref<20480x1000xf32, #tpu.memory_space<hbm>> -> memref<32x1000xf32, #tpu.memory_space<hbm>>
    %dma_wait3A_309 = arith.constant 0 : i32
    %dma_wait3A_310 = tpu.memref_slice %arg4[%add3A_278, %dma_wait3A_309] : memref<20480x1000xf32, #tpu.memory_space<hbm>> -> memref<32x1000xf32, #tpu.memory_space<hbm>>
    %dma_wait3A_311 = arith.constant 0 : i32
    %dma_wait3A_312 = arith.constant 0 : i32
    %dma_wait3A_313 = tpu.memref_slice %arg6[%dma_wait3A_302, %dma_wait3A_311, %dma_wait3A_312] : memref<2x32x1000xf32, #tpu.memory_space<vmem>> -> memref<1x32x1000xf32, #tpu.memory_space<vmem>>
    %dma_wait3A_314 = tpu.memref_squeeze %dma_wait3A_313 : memref<1x32x1000xf32, #tpu.memory_space<vmem>> -> memref<32x1000xf32, #tpu.memory_space<vmem>>
    tpu.wait_dma2 semaphore(%arg11 : memref<!tpu.dma_semaphore, #tpu.memory_space<semaphore_mem>>) src(%dma_wait3A_314 : memref<32x1000xf32, #tpu.memory_space<vmem>>) dst(%dma_wait3A_310 : memref<32x1000xf32, #tpu.memory_space<hbm>>)
    %dma_start3A_315 = arith.constant 1 : i32
    %dma_start3A_316 = arith.constant 0 : i32
    %dma_start3A_317 = arith.constant 0 : i32
    %dma_start3A_318 = tpu.memref_slice %arg6[%dma_start3A_315, %dma_start3A_316, %dma_start3A_317] : memref<2x32x1000xf32, #tpu.memory_space<vmem>> -> memref<1x32x1000xf32, #tpu.memory_space<vmem>>
    %dma_start3A_319 = tpu.memref_squeeze %dma_start3A_318 : memref<1x32x1000xf32, #tpu.memory_space<vmem>> -> memref<32x1000xf32, #tpu.memory_space<vmem>>
    %dma_start3A_320 = arith.constant 224 : i32
    %dma_start3A_321 = tpu.memref_slice %arg5[%dma_start3A_320] : memref<640xi32, #tpu.memory_space<vmem>> -> memref<32xi32, #tpu.memory_space<vmem>>
    %dma_start3A_322 = arith.constant 0 : i32
    %dma_start3A_323 = arith.constant 0 : i32
    %dma_start3A_324 = tpu.memref_slice %arg7[%dma_start3A_322, %dma_start3A_323] : memref<1000x1000xf32, #tpu.memory_space<vmem_shared>> -> memref<1000x1000xf32, #tpu.memory_space<vmem_shared>>
    tpu.enqueue_indirect_dma source(%dma_start3A_324 : memref<1000x1000xf32, #tpu.memory_space<vmem_shared>>) target(%dma_start3A_319 : memref<32x1000xf32, #tpu.memory_space<vmem>>) offsets(%dma_start3A_321 : memref<32xi32, #tpu.memory_space<vmem>>) semaphore(%arg9 : memref<!tpu.dma_semaphore, #tpu.memory_space<semaphore_mem>>)
    %add3A_325 = arith.constant 192 : i32
    %add3A_326 = arith.addi %mul3A_2, %add3A_325 : i32
    %dma_start3A_327 = arith.constant 0 : i32
    %dma_start3A_328 = arith.constant 0 : i32
    %dma_start3A_329 = arith.constant 0 : i32
    %dma_start3A_330 = tpu.memref_slice %arg6[%dma_start3A_327, %dma_start3A_328, %dma_start3A_329] : memref<2x32x1000xf32, #tpu.memory_space<vmem>> -> memref<1x32x1000xf32, #tpu.memory_space<vmem>>
    %dma_start3A_331 = tpu.memref_squeeze %dma_start3A_330 : memref<1x32x1000xf32, #tpu.memory_space<vmem>> -> memref<32x1000xf32, #tpu.memory_space<vmem>>
    %dma_start3A_332 = arith.constant 0 : i32
    %dma_start3A_333 = tpu.memref_slice %arg4[%add3A_326, %dma_start3A_332] : memref<20480x1000xf32, #tpu.memory_space<hbm>> -> memref<32x1000xf32, #tpu.memory_space<hbm>>
    %dma_start3A_334 = arith.constant 0 : i32
    %dma_start3A_335 = tpu.memref_slice %arg4[%add3A_326, %dma_start3A_334] : memref<20480x1000xf32, #tpu.memory_space<hbm>> -> memref<32x1000xf32, #tpu.memory_space<hbm>>
    %dma_start3A_336 = arith.constant 0 : i32
    %dma_start3A_337 = arith.constant 0 : i32
    %dma_start3A_338 = tpu.memref_slice %arg6[%dma_start3A_327, %dma_start3A_336, %dma_start3A_337] : memref<2x32x1000xf32, #tpu.memory_space<vmem>> -> memref<1x32x1000xf32, #tpu.memory_space<vmem>>
    %dma_start3A_339 = tpu.memref_squeeze %dma_start3A_338 : memref<1x32x1000xf32, #tpu.memory_space<vmem>> -> memref<32x1000xf32, #tpu.memory_space<vmem>>
    tpu.enqueue_dma source(%dma_start3A_339 : memref<32x1000xf32, #tpu.memory_space<vmem>>) target(%dma_start3A_335 : memref<32x1000xf32, #tpu.memory_space<hbm>>) target_semaphore(%arg10 : memref<!tpu.dma_semaphore, #tpu.memory_space<semaphore_mem>>)
    %dma_wait3A_340 = arith.constant 1 : i32
    %dma_wait3A_341 = arith.constant 0 : i32
    %dma_wait3A_342 = arith.constant 0 : i32
    %dma_wait3A_343 = tpu.memref_slice %arg6[%dma_wait3A_340, %dma_wait3A_341, %dma_wait3A_342] : memref<2x32x1000xf32, #tpu.memory_space<vmem>> -> memref<1x32x1000xf32, #tpu.memory_space<vmem>>
    %dma_wait3A_344 = tpu.memref_squeeze %dma_wait3A_343 : memref<1x32x1000xf32, #tpu.memory_space<vmem>> -> memref<32x1000xf32, #tpu.memory_space<vmem>>
    %dma_wait3A_345 = arith.constant 224 : i32
    %dma_wait3A_346 = tpu.memref_slice %arg5[%dma_wait3A_345] : memref<640xi32, #tpu.memory_space<vmem>> -> memref<32xi32, #tpu.memory_space<vmem>>
    %dma_wait3A_347 = arith.constant 0 : i32
    %dma_wait3A_348 = arith.constant 0 : i32
    %dma_wait3A_349 = tpu.memref_slice %arg7[%dma_wait3A_347, %dma_wait3A_348] : memref<1000x1000xf32, #tpu.memory_space<vmem_shared>> -> memref<1000x1000xf32, #tpu.memory_space<vmem_shared>>
    tpu.wait_indirect_dma semaphore(%arg9 : memref<!tpu.dma_semaphore, #tpu.memory_space<semaphore_mem>>) src(%dma_wait3A_349 : memref<1000x1000xf32, #tpu.memory_space<vmem_shared>>) dst(%dma_wait3A_344 : memref<32x1000xf32, #tpu.memory_space<vmem>>)
    %dma_wait3A_350 = arith.constant 0 : i32
    %dma_wait3A_351 = arith.constant 0 : i32
    %dma_wait3A_352 = arith.constant 0 : i32
    %dma_wait3A_353 = tpu.memref_slice %arg6[%dma_wait3A_350, %dma_wait3A_351, %dma_wait3A_352] : memref<2x32x1000xf32, #tpu.memory_space<vmem>> -> memref<1x32x1000xf32, #tpu.memory_space<vmem>>
    %dma_wait3A_354 = tpu.memref_squeeze %dma_wait3A_353 : memref<1x32x1000xf32, #tpu.memory_space<vmem>> -> memref<32x1000xf32, #tpu.memory_space<vmem>>
    %dma_wait3A_355 = arith.constant 0 : i32
    %dma_wait3A_356 = tpu.memref_slice %arg4[%add3A_326, %dma_wait3A_355] : memref<20480x1000xf32, #tpu.memory_space<hbm>> -> memref<32x1000xf32, #tpu.memory_space<hbm>>
    %dma_wait3A_357 = arith.constant 0 : i32
    %dma_wait3A_358 = tpu.memref_slice %arg4[%add3A_326, %dma_wait3A_357] : memref<20480x1000xf32, #tpu.memory_space<hbm>> -> memref<32x1000xf32, #tpu.memory_space<hbm>>
    %dma_wait3A_359 = arith.constant 0 : i32
    %dma_wait3A_360 = arith.constant 0 : i32
    %dma_wait3A_361 = tpu.memref_slice %arg6[%dma_wait3A_350, %dma_wait3A_359, %dma_wait3A_360] : memref<2x32x1000xf32, #tpu.memory_space<vmem>> -> memref<1x32x1000xf32, #tpu.memory_space<vmem>>
    %dma_wait3A_362 = tpu.memref_squeeze %dma_wait3A_361 : memref<1x32x1000xf32, #tpu.memory_space<vmem>> -> memref<32x1000xf32, #tpu.memory_space<vmem>>
    tpu.wait_dma2 semaphore(%arg10 : memref<!tpu.dma_semaphore, #tpu.memory_space<semaphore_mem>>) src(%dma_wait3A_362 : memref<32x1000xf32, #tpu.memory_space<vmem>>) dst(%dma_wait3A_358 : memref<32x1000xf32, #tpu.memory_space<hbm>>)
    %dma_start3A_363 = arith.constant 0 : i32
    %dma_start3A_364 = arith.constant 0 : i32
    %dma_start3A_365 = arith.constant 0 : i32
    %dma_start3A_366 = tpu.memref_slice %arg6[%dma_start3A_363, %dma_start3A_364, %dma_start3A_365] : memref<2x32x1000xf32, #tpu.memory_space<vmem>> -> memref<1x32x1000xf32, #tpu.memory_space<vmem>>
    %dma_start3A_367 = tpu.memref_squeeze %dma_start3A_366 : memref<1x32x1000xf32, #tpu.memory_space<vmem>> -> memref<32x1000xf32, #tpu.memory_space<vmem>>
    %dma_start3A_368 = arith.constant 256 : i32
    %dma_start3A_369 = tpu.memref_slice %arg5[%dma_start3A_368] : memref<640xi32, #tpu.memory_space<vmem>> -> memref<32xi32, #tpu.memory_space<vmem>>
    %dma_start3A_370 = arith.constant 0 : i32
    %dma_start3A_371 = arith.constant 0 : i32
    %dma_start3A_372 = tpu.memref_slice %arg7[%dma_start3A_370, %dma_start3A_371] : memref<1000x1000xf32, #tpu.memory_space<vmem_shared>> -> memref<1000x1000xf32, #tpu.memory_space<vmem_shared>>
    tpu.enqueue_indirect_dma source(%dma_start3A_372 : memref<1000x1000xf32, #tpu.memory_space<vmem_shared>>) target(%dma_start3A_367 : memref<32x1000xf32, #tpu.memory_space<vmem>>) offsets(%dma_start3A_369 : memref<32xi32, #tpu.memory_space<vmem>>) semaphore(%arg8 : memref<!tpu.dma_semaphore, #tpu.memory_space<semaphore_mem>>)
    %add3A_373 = arith.constant 224 : i32
    %add3A_374 = arith.addi %mul3A_2, %add3A_373 : i32
    %dma_start3A_375 = arith.constant 1 : i32
    %dma_start3A_376 = arith.constant 0 : i32
    %dma_start3A_377 = arith.constant 0 : i32
    %dma_start3A_378 = tpu.memref_slice %arg6[%dma_start3A_375, %dma_start3A_376, %dma_start3A_377] : memref<2x32x1000xf32, #tpu.memory_space<vmem>> -> memref<1x32x1000xf32, #tpu.memory_space<vmem>>
    %dma_start3A_379 = tpu.memref_squeeze %dma_start3A_378 : memref<1x32x1000xf32, #tpu.memory_space<vmem>> -> memref<32x1000xf32, #tpu.memory_space<vmem>>
    %dma_start3A_380 = arith.constant 0 : i32
    %dma_start3A_381 = tpu.memref_slice %arg4[%add3A_374, %dma_start3A_380] : memref<20480x1000xf32, #tpu.memory_space<hbm>> -> memref<32x1000xf32, #tpu.memory_space<hbm>>
    %dma_start3A_382 = arith.constant 0 : i32
    %dma_start3A_383 = tpu.memref_slice %arg4[%add3A_374, %dma_start3A_382] : memref<20480x1000xf32, #tpu.memory_space<hbm>> -> memref<32x1000xf32, #tpu.memory_space<hbm>>
    %dma_start3A_384 = arith.constant 0 : i32
    %dma_start3A_385 = arith.constant 0 : i32
    %dma_start3A_386 = tpu.memref_slice %arg6[%dma_start3A_375, %dma_start3A_384, %dma_start3A_385] : memref<2x32x1000xf32, #tpu.memory_space<vmem>> -> memref<1x32x1000xf32, #tpu.memory_space<vmem>>
    %dma_start3A_387 = tpu.memref_squeeze %dma_start3A_386 : memref<1x32x1000xf32, #tpu.memory_space<vmem>> -> memref<32x1000xf32, #tpu.memory_space<vmem>>
    tpu.enqueue_dma source(%dma_start3A_387 : memref<32x1000xf32, #tpu.memory_space<vmem>>) target(%dma_start3A_383 : memref<32x1000xf32, #tpu.memory_space<hbm>>) target_semaphore(%arg11 : memref<!tpu.dma_semaphore, #tpu.memory_space<semaphore_mem>>)
    %dma_wait3A_388 = arith.constant 0 : i32
    %dma_wait3A_389 = arith.constant 0 : i32
    %dma_wait3A_390 = arith.constant 0 : i32
    %dma_wait3A_391 = tpu.memref_slice %arg6[%dma_wait3A_388, %dma_wait3A_389, %dma_wait3A_390] : memref<2x32x1000xf32, #tpu.memory_space<vmem>> -> memref<1x32x1000xf32, #tpu.memory_space<vmem>>
    %dma_wait3A_392 = tpu.memref_squeeze %dma_wait3A_391 : memref<1x32x1000xf32, #tpu.memory_space<vmem>> -> memref<32x1000xf32, #tpu.memory_space<vmem>>
    %dma_wait3A_393 = arith.constant 256 : i32
    %dma_wait3A_394 = tpu.memref_slice %arg5[%dma_wait3A_393] : memref<640xi32, #tpu.memory_space<vmem>> -> memref<32xi32, #tpu.memory_space<vmem>>
    %dma_wait3A_395 = arith.constant 0 : i32
    %dma_wait3A_396 = arith.constant 0 : i32
    %dma_wait3A_397 = tpu.memref_slice %arg7[%dma_wait3A_395, %dma_wait3A_396] : memref<1000x1000xf32, #tpu.memory_space<vmem_shared>> -> memref<1000x1000xf32, #tpu.memory_space<vmem_shared>>
    tpu.wait_indirect_dma semaphore(%arg8 : memref<!tpu.dma_semaphore, #tpu.memory_space<semaphore_mem>>) src(%dma_wait3A_397 : memref<1000x1000xf32, #tpu.memory_space<vmem_shared>>) dst(%dma_wait3A_392 : memref<32x1000xf32, #tpu.memory_space<vmem>>)
    %dma_wait3A_398 = arith.constant 1 : i32
    %dma_wait3A_399 = arith.constant 0 : i32
    %dma_wait3A_400 = arith.constant 0 : i32
    %dma_wait3A_401 = tpu.memref_slice %arg6[%dma_wait3A_398, %dma_wait3A_399, %dma_wait3A_400] : memref<2x32x1000xf32, #tpu.memory_space<vmem>> -> memref<1x32x1000xf32, #tpu.memory_space<vmem>>
    %dma_wait3A_402 = tpu.memref_squeeze %dma_wait3A_401 : memref<1x32x1000xf32, #tpu.memory_space<vmem>> -> memref<32x1000xf32, #tpu.memory_space<vmem>>
    %dma_wait3A_403 = arith.constant 0 : i32
    %dma_wait3A_404 = tpu.memref_slice %arg4[%add3A_374, %dma_wait3A_403] : memref<20480x1000xf32, #tpu.memory_space<hbm>> -> memref<32x1000xf32, #tpu.memory_space<hbm>>
    %dma_wait3A_405 = arith.constant 0 : i32
    %dma_wait3A_406 = tpu.memref_slice %arg4[%add3A_374, %dma_wait3A_405] : memref<20480x1000xf32, #tpu.memory_space<hbm>> -> memref<32x1000xf32, #tpu.memory_space<hbm>>
    %dma_wait3A_407 = arith.constant 0 : i32
    %dma_wait3A_408 = arith.constant 0 : i32
    %dma_wait3A_409 = tpu.memref_slice %arg6[%dma_wait3A_398, %dma_wait3A_407, %dma_wait3A_408] : memref<2x32x1000xf32, #tpu.memory_space<vmem>> -> memref<1x32x1000xf32, #tpu.memory_space<vmem>>
    %dma_wait3A_410 = tpu.memref_squeeze %dma_wait3A_409 : memref<1x32x1000xf32, #tpu.memory_space<vmem>> -> memref<32x1000xf32, #tpu.memory_space<vmem>>
    tpu.wait_dma2 semaphore(%arg11 : memref<!tpu.dma_semaphore, #tpu.memory_space<semaphore_mem>>) src(%dma_wait3A_410 : memref<32x1000xf32, #tpu.memory_space<vmem>>) dst(%dma_wait3A_406 : memref<32x1000xf32, #tpu.memory_space<hbm>>)
    %dma_start3A_411 = arith.constant 1 : i32
    %dma_start3A_412 = arith.constant 0 : i32
    %dma_start3A_413 = arith.constant 0 : i32
    %dma_start3A_414 = tpu.memref_slice %arg6[%dma_start3A_411, %dma_start3A_412, %dma_start3A_413] : memref<2x32x1000xf32, #tpu.memory_space<vmem>> -> memref<1x32x1000xf32, #tpu.memory_space<vmem>>
    %dma_start3A_415 = tpu.memref_squeeze %dma_start3A_414 : memref<1x32x1000xf32, #tpu.memory_space<vmem>> -> memref<32x1000xf32, #tpu.memory_space<vmem>>
    %dma_start3A_416 = arith.constant 288 : i32
    %dma_start3A_417 = tpu.memref_slice %arg5[%dma_start3A_416] : memref<640xi32, #tpu.memory_space<vmem>> -> memref<32xi32, #tpu.memory_space<vmem>>
    %dma_start3A_418 = arith.constant 0 : i32
    %dma_start3A_419 = arith.constant 0 : i32
    %dma_start3A_420 = tpu.memref_slice %arg7[%dma_start3A_418, %dma_start3A_419] : memref<1000x1000xf32, #tpu.memory_space<vmem_shared>> -> memref<1000x1000xf32, #tpu.memory_space<vmem_shared>>
    tpu.enqueue_indirect_dma source(%dma_start3A_420 : memref<1000x1000xf32, #tpu.memory_space<vmem_shared>>) target(%dma_start3A_415 : memref<32x1000xf32, #tpu.memory_space<vmem>>) offsets(%dma_start3A_417 : memref<32xi32, #tpu.memory_space<vmem>>) semaphore(%arg9 : memref<!tpu.dma_semaphore, #tpu.memory_space<semaphore_mem>>)
    %add3A_421 = arith.constant 256 : i32
    %add3A_422 = arith.addi %mul3A_2, %add3A_421 : i32
    %dma_start3A_423 = arith.constant 0 : i32
    %dma_start3A_424 = arith.constant 0 : i32
    %dma_start3A_425 = arith.constant 0 : i32
    %dma_start3A_426 = tpu.memref_slice %arg6[%dma_start3A_423, %dma_start3A_424, %dma_start3A_425] : memref<2x32x1000xf32, #tpu.memory_space<vmem>> -> memref<1x32x1000xf32, #tpu.memory_space<vmem>>
    %dma_start3A_427 = tpu.memref_squeeze %dma_start3A_426 : memref<1x32x1000xf32, #tpu.memory_space<vmem>> -> memref<32x1000xf32, #tpu.memory_space<vmem>>
    %dma_start3A_428 = arith.constant 0 : i32
    %dma_start3A_429 = tpu.memref_slice %arg4[%add3A_422, %dma_start3A_428] : memref<20480x1000xf32, #tpu.memory_space<hbm>> -> memref<32x1000xf32, #tpu.memory_space<hbm>>
    %dma_start3A_430 = arith.constant 0 : i32
    %dma_start3A_431 = tpu.memref_slice %arg4[%add3A_422, %dma_start3A_430] : memref<20480x1000xf32, #tpu.memory_space<hbm>> -> memref<32x1000xf32, #tpu.memory_space<hbm>>
    %dma_start3A_432 = arith.constant 0 : i32
    %dma_start3A_433 = arith.constant 0 : i32
    %dma_start3A_434 = tpu.memref_slice %arg6[%dma_start3A_423, %dma_start3A_432, %dma_start3A_433] : memref<2x32x1000xf32, #tpu.memory_space<vmem>> -> memref<1x32x1000xf32, #tpu.memory_space<vmem>>
    %dma_start3A_435 = tpu.memref_squeeze %dma_start3A_434 : memref<1x32x1000xf32, #tpu.memory_space<vmem>> -> memref<32x1000xf32, #tpu.memory_space<vmem>>
    tpu.enqueue_dma source(%dma_start3A_435 : memref<32x1000xf32, #tpu.memory_space<vmem>>) target(%dma_start3A_431 : memref<32x1000xf32, #tpu.memory_space<hbm>>) target_semaphore(%arg10 : memref<!tpu.dma_semaphore, #tpu.memory_space<semaphore_mem>>)
    %dma_wait3A_436 = arith.constant 1 : i32
    %dma_wait3A_437 = arith.constant 0 : i32
    %dma_wait3A_438 = arith.constant 0 : i32
    %dma_wait3A_439 = tpu.memref_slice %arg6[%dma_wait3A_436, %dma_wait3A_437, %dma_wait3A_438] : memref<2x32x1000xf32, #tpu.memory_space<vmem>> -> memref<1x32x1000xf32, #tpu.memory_space<vmem>>
    %dma_wait3A_440 = tpu.memref_squeeze %dma_wait3A_439 : memref<1x32x1000xf32, #tpu.memory_space<vmem>> -> memref<32x1000xf32, #tpu.memory_space<vmem>>
    %dma_wait3A_441 = arith.constant 288 : i32
    %dma_wait3A_442 = tpu.memref_slice %arg5[%dma_wait3A_441] : memref<640xi32, #tpu.memory_space<vmem>> -> memref<32xi32, #tpu.memory_space<vmem>>
    %dma_wait3A_443 = arith.constant 0 : i32
    %dma_wait3A_444 = arith.constant 0 : i32
    %dma_wait3A_445 = tpu.memref_slice %arg7[%dma_wait3A_443, %dma_wait3A_444] : memref<1000x1000xf32, #tpu.memory_space<vmem_shared>> -> memref<1000x1000xf32, #tpu.memory_space<vmem_shared>>
    tpu.wait_indirect_dma semaphore(%arg9 : memref<!tpu.dma_semaphore, #tpu.memory_space<semaphore_mem>>) src(%dma_wait3A_445 : memref<1000x1000xf32, #tpu.memory_space<vmem_shared>>) dst(%dma_wait3A_440 : memref<32x1000xf32, #tpu.memory_space<vmem>>)
    %dma_wait3A_446 = arith.constant 0 : i32
    %dma_wait3A_447 = arith.constant 0 : i32
    %dma_wait3A_448 = arith.constant 0 : i32
    %dma_wait3A_449 = tpu.memref_slice %arg6[%dma_wait3A_446, %dma_wait3A_447, %dma_wait3A_448] : memref<2x32x1000xf32, #tpu.memory_space<vmem>> -> memref<1x32x1000xf32, #tpu.memory_space<vmem>>
    %dma_wait3A_450 = tpu.memref_squeeze %dma_wait3A_449 : memref<1x32x1000xf32, #tpu.memory_space<vmem>> -> memref<32x1000xf32, #tpu.memory_space<vmem>>
    %dma_wait3A_451 = arith.constant 0 : i32
    %dma_wait3A_452 = tpu.memref_slice %arg4[%add3A_422, %dma_wait3A_451] : memref<20480x1000xf32, #tpu.memory_space<hbm>> -> memref<32x1000xf32, #tpu.memory_space<hbm>>
    %dma_wait3A_453 = arith.constant 0 : i32
    %dma_wait3A_454 = tpu.memref_slice %arg4[%add3A_422, %dma_wait3A_453] : memref<20480x1000xf32, #tpu.memory_space<hbm>> -> memref<32x1000xf32, #tpu.memory_space<hbm>>
    %dma_wait3A_455 = arith.constant 0 : i32
    %dma_wait3A_456 = arith.constant 0 : i32
    %dma_wait3A_457 = tpu.memref_slice %arg6[%dma_wait3A_446, %dma_wait3A_455, %dma_wait3A_456] : memref<2x32x1000xf32, #tpu.memory_space<vmem>> -> memref<1x32x1000xf32, #tpu.memory_space<vmem>>
    %dma_wait3A_458 = tpu.memref_squeeze %dma_wait3A_457 : memref<1x32x1000xf32, #tpu.memory_space<vmem>> -> memref<32x1000xf32, #tpu.memory_space<vmem>>
    tpu.wait_dma2 semaphore(%arg10 : memref<!tpu.dma_semaphore, #tpu.memory_space<semaphore_mem>>) src(%dma_wait3A_458 : memref<32x1000xf32, #tpu.memory_space<vmem>>) dst(%dma_wait3A_454 : memref<32x1000xf32, #tpu.memory_space<hbm>>)
    %dma_start3A_459 = arith.constant 0 : i32
    %dma_start3A_460 = arith.constant 0 : i32
    %dma_start3A_461 = arith.constant 0 : i32
    %dma_start3A_462 = tpu.memref_slice %arg6[%dma_start3A_459, %dma_start3A_460, %dma_start3A_461] : memref<2x32x1000xf32, #tpu.memory_space<vmem>> -> memref<1x32x1000xf32, #tpu.memory_space<vmem>>
    %dma_start3A_463 = tpu.memref_squeeze %dma_start3A_462 : memref<1x32x1000xf32, #tpu.memory_space<vmem>> -> memref<32x1000xf32, #tpu.memory_space<vmem>>
    %dma_start3A_464 = arith.constant 320 : i32
    %dma_start3A_465 = tpu.memref_slice %arg5[%dma_start3A_464] : memref<640xi32, #tpu.memory_space<vmem>> -> memref<32xi32, #tpu.memory_space<vmem>>
    %dma_start3A_466 = arith.constant 0 : i32
    %dma_start3A_467 = arith.constant 0 : i32
    %dma_start3A_468 = tpu.memref_slice %arg7[%dma_start3A_466, %dma_start3A_467] : memref<1000x1000xf32, #tpu.memory_space<vmem_shared>> -> memref<1000x1000xf32, #tpu.memory_space<vmem_shared>>
    tpu.enqueue_indirect_dma source(%dma_start3A_468 : memref<1000x1000xf32, #tpu.memory_space<vmem_shared>>) target(%dma_start3A_463 : memref<32x1000xf32, #tpu.memory_space<vmem>>) offsets(%dma_start3A_465 : memref<32xi32, #tpu.memory_space<vmem>>) semaphore(%arg8 : memref<!tpu.dma_semaphore, #tpu.memory_space<semaphore_mem>>)
    %add3A_469 = arith.constant 288 : i32
    %add3A_470 = arith.addi %mul3A_2, %add3A_469 : i32
    %dma_start3A_471 = arith.constant 1 : i32
    %dma_start3A_472 = arith.constant 0 : i32
    %dma_start3A_473 = arith.constant 0 : i32
    %dma_start3A_474 = tpu.memref_slice %arg6[%dma_start3A_471, %dma_start3A_472, %dma_start3A_473] : memref<2x32x1000xf32, #tpu.memory_space<vmem>> -> memref<1x32x1000xf32, #tpu.memory_space<vmem>>
    %dma_start3A_475 = tpu.memref_squeeze %dma_start3A_474 : memref<1x32x1000xf32, #tpu.memory_space<vmem>> -> memref<32x1000xf32, #tpu.memory_space<vmem>>
    %dma_start3A_476 = arith.constant 0 : i32
    %dma_start3A_477 = tpu.memref_slice %arg4[%add3A_470, %dma_start3A_476] : memref<20480x1000xf32, #tpu.memory_space<hbm>> -> memref<32x1000xf32, #tpu.memory_space<hbm>>
    %dma_start3A_478 = arith.constant 0 : i32
    %dma_start3A_479 = tpu.memref_slice %arg4[%add3A_470, %dma_start3A_478] : memref<20480x1000xf32, #tpu.memory_space<hbm>> -> memref<32x1000xf32, #tpu.memory_space<hbm>>
    %dma_start3A_480 = arith.constant 0 : i32
    %dma_start3A_481 = arith.constant 0 : i32
    %dma_start3A_482 = tpu.memref_slice %arg6[%dma_start3A_471, %dma_start3A_480, %dma_start3A_481] : memref<2x32x1000xf32, #tpu.memory_space<vmem>> -> memref<1x32x1000xf32, #tpu.memory_space<vmem>>
    %dma_start3A_483 = tpu.memref_squeeze %dma_start3A_482 : memref<1x32x1000xf32, #tpu.memory_space<vmem>> -> memref<32x1000xf32, #tpu.memory_space<vmem>>
    tpu.enqueue_dma source(%dma_start3A_483 : memref<32x1000xf32, #tpu.memory_space<vmem>>) target(%dma_start3A_479 : memref<32x1000xf32, #tpu.memory_space<hbm>>) target_semaphore(%arg11 : memref<!tpu.dma_semaphore, #tpu.memory_space<semaphore_mem>>)
    %dma_wait3A_484 = arith.constant 0 : i32
    %dma_wait3A_485 = arith.constant 0 : i32
    %dma_wait3A_486 = arith.constant 0 : i32
    %dma_wait3A_487 = tpu.memref_slice %arg6[%dma_wait3A_484, %dma_wait3A_485, %dma_wait3A_486] : memref<2x32x1000xf32, #tpu.memory_space<vmem>> -> memref<1x32x1000xf32, #tpu.memory_space<vmem>>
    %dma_wait3A_488 = tpu.memref_squeeze %dma_wait3A_487 : memref<1x32x1000xf32, #tpu.memory_space<vmem>> -> memref<32x1000xf32, #tpu.memory_space<vmem>>
    %dma_wait3A_489 = arith.constant 320 : i32
    %dma_wait3A_490 = tpu.memref_slice %arg5[%dma_wait3A_489] : memref<640xi32, #tpu.memory_space<vmem>> -> memref<32xi32, #tpu.memory_space<vmem>>
    %dma_wait3A_491 = arith.constant 0 : i32
    %dma_wait3A_492 = arith.constant 0 : i32
    %dma_wait3A_493 = tpu.memref_slice %arg7[%dma_wait3A_491, %dma_wait3A_492] : memref<1000x1000xf32, #tpu.memory_space<vmem_shared>> -> memref<1000x1000xf32, #tpu.memory_space<vmem_shared>>
    tpu.wait_indirect_dma semaphore(%arg8 : memref<!tpu.dma_semaphore, #tpu.memory_space<semaphore_mem>>) src(%dma_wait3A_493 : memref<1000x1000xf32, #tpu.memory_space<vmem_shared>>) dst(%dma_wait3A_488 : memref<32x1000xf32, #tpu.memory_space<vmem>>)
    %dma_wait3A_494 = arith.constant 1 : i32
    %dma_wait3A_495 = arith.constant 0 : i32
    %dma_wait3A_496 = arith.constant 0 : i32
    %dma_wait3A_497 = tpu.memref_slice %arg6[%dma_wait3A_494, %dma_wait3A_495, %dma_wait3A_496] : memref<2x32x1000xf32, #tpu.memory_space<vmem>> -> memref<1x32x1000xf32, #tpu.memory_space<vmem>>
    %dma_wait3A_498 = tpu.memref_squeeze %dma_wait3A_497 : memref<1x32x1000xf32, #tpu.memory_space<vmem>> -> memref<32x1000xf32, #tpu.memory_space<vmem>>
    %dma_wait3A_499 = arith.constant 0 : i32
    %dma_wait3A_500 = tpu.memref_slice %arg4[%add3A_470, %dma_wait3A_499] : memref<20480x1000xf32, #tpu.memory_space<hbm>> -> memref<32x1000xf32, #tpu.memory_space<hbm>>
    %dma_wait3A_501 = arith.constant 0 : i32
    %dma_wait3A_502 = tpu.memref_slice %arg4[%add3A_470, %dma_wait3A_501] : memref<20480x1000xf32, #tpu.memory_space<hbm>> -> memref<32x1000xf32, #tpu.memory_space<hbm>>
    %dma_wait3A_503 = arith.constant 0 : i32
    %dma_wait3A_504 = arith.constant 0 : i32
    %dma_wait3A_505 = tpu.memref_slice %arg6[%dma_wait3A_494, %dma_wait3A_503, %dma_wait3A_504] : memref<2x32x1000xf32, #tpu.memory_space<vmem>> -> memref<1x32x1000xf32, #tpu.memory_space<vmem>>
    %dma_wait3A_506 = tpu.memref_squeeze %dma_wait3A_505 : memref<1x32x1000xf32, #tpu.memory_space<vmem>> -> memref<32x1000xf32, #tpu.memory_space<vmem>>
    tpu.wait_dma2 semaphore(%arg11 : memref<!tpu.dma_semaphore, #tpu.memory_space<semaphore_mem>>) src(%dma_wait3A_506 : memref<32x1000xf32, #tpu.memory_space<vmem>>) dst(%dma_wait3A_502 : memref<32x1000xf32, #tpu.memory_space<hbm>>)
    %dma_start3A_507 = arith.constant 1 : i32
    %dma_start3A_508 = arith.constant 0 : i32
    %dma_start3A_509 = arith.constant 0 : i32
    %dma_start3A_510 = tpu.memref_slice %arg6[%dma_start3A_507, %dma_start3A_508, %dma_start3A_509] : memref<2x32x1000xf32, #tpu.memory_space<vmem>> -> memref<1x32x1000xf32, #tpu.memory_space<vmem>>
    %dma_start3A_511 = tpu.memref_squeeze %dma_start3A_510 : memref<1x32x1000xf32, #tpu.memory_space<vmem>> -> memref<32x1000xf32, #tpu.memory_space<vmem>>
    %dma_start3A_512 = arith.constant 352 : i32
    %dma_start3A_513 = tpu.memref_slice %arg5[%dma_start3A_512] : memref<640xi32, #tpu.memory_space<vmem>> -> memref<32xi32, #tpu.memory_space<vmem>>
    %dma_start3A_514 = arith.constant 0 : i32
    %dma_start3A_515 = arith.constant 0 : i32
    %dma_start3A_516 = tpu.memref_slice %arg7[%dma_start3A_514, %dma_start3A_515] : memref<1000x1000xf32, #tpu.memory_space<vmem_shared>> -> memref<1000x1000xf32, #tpu.memory_space<vmem_shared>>
    tpu.enqueue_indirect_dma source(%dma_start3A_516 : memref<1000x1000xf32, #tpu.memory_space<vmem_shared>>) target(%dma_start3A_511 : memref<32x1000xf32, #tpu.memory_space<vmem>>) offsets(%dma_start3A_513 : memref<32xi32, #tpu.memory_space<vmem>>) semaphore(%arg9 : memref<!tpu.dma_semaphore, #tpu.memory_space<semaphore_mem>>)
    %add3A_517 = arith.constant 320 : i32
    %add3A_518 = arith.addi %mul3A_2, %add3A_517 : i32
    %dma_start3A_519 = arith.constant 0 : i32
    %dma_start3A_520 = arith.constant 0 : i32
    %dma_start3A_521 = arith.constant 0 : i32
    %dma_start3A_522 = tpu.memref_slice %arg6[%dma_start3A_519, %dma_start3A_520, %dma_start3A_521] : memref<2x32x1000xf32, #tpu.memory_space<vmem>> -> memref<1x32x1000xf32, #tpu.memory_space<vmem>>
    %dma_start3A_523 = tpu.memref_squeeze %dma_start3A_522 : memref<1x32x1000xf32, #tpu.memory_space<vmem>> -> memref<32x1000xf32, #tpu.memory_space<vmem>>
    %dma_start3A_524 = arith.constant 0 : i32
    %dma_start3A_525 = tpu.memref_slice %arg4[%add3A_518, %dma_start3A_524] : memref<20480x1000xf32, #tpu.memory_space<hbm>> -> memref<32x1000xf32, #tpu.memory_space<hbm>>
    %dma_start3A_526 = arith.constant 0 : i32
    %dma_start3A_527 = tpu.memref_slice %arg4[%add3A_518, %dma_start3A_526] : memref<20480x1000xf32, #tpu.memory_space<hbm>> -> memref<32x1000xf32, #tpu.memory_space<hbm>>
    %dma_start3A_528 = arith.constant 0 : i32
    %dma_start3A_529 = arith.constant 0 : i32
    %dma_start3A_530 = tpu.memref_slice %arg6[%dma_start3A_519, %dma_start3A_528, %dma_start3A_529] : memref<2x32x1000xf32, #tpu.memory_space<vmem>> -> memref<1x32x1000xf32, #tpu.memory_space<vmem>>
    %dma_start3A_531 = tpu.memref_squeeze %dma_start3A_530 : memref<1x32x1000xf32, #tpu.memory_space<vmem>> -> memref<32x1000xf32, #tpu.memory_space<vmem>>
    tpu.enqueue_dma source(%dma_start3A_531 : memref<32x1000xf32, #tpu.memory_space<vmem>>) target(%dma_start3A_527 : memref<32x1000xf32, #tpu.memory_space<hbm>>) target_semaphore(%arg10 : memref<!tpu.dma_semaphore, #tpu.memory_space<semaphore_mem>>)
    %dma_wait3A_532 = arith.constant 1 : i32
    %dma_wait3A_533 = arith.constant 0 : i32
    %dma_wait3A_534 = arith.constant 0 : i32
    %dma_wait3A_535 = tpu.memref_slice %arg6[%dma_wait3A_532, %dma_wait3A_533, %dma_wait3A_534] : memref<2x32x1000xf32, #tpu.memory_space<vmem>> -> memref<1x32x1000xf32, #tpu.memory_space<vmem>>
    %dma_wait3A_536 = tpu.memref_squeeze %dma_wait3A_535 : memref<1x32x1000xf32, #tpu.memory_space<vmem>> -> memref<32x1000xf32, #tpu.memory_space<vmem>>
    %dma_wait3A_537 = arith.constant 352 : i32
    %dma_wait3A_538 = tpu.memref_slice %arg5[%dma_wait3A_537] : memref<640xi32, #tpu.memory_space<vmem>> -> memref<32xi32, #tpu.memory_space<vmem>>
    %dma_wait3A_539 = arith.constant 0 : i32
    %dma_wait3A_540 = arith.constant 0 : i32
    %dma_wait3A_541 = tpu.memref_slice %arg7[%dma_wait3A_539, %dma_wait3A_540] : memref<1000x1000xf32, #tpu.memory_space<vmem_shared>> -> memref<1000x1000xf32, #tpu.memory_space<vmem_shared>>
    tpu.wait_indirect_dma semaphore(%arg9 : memref<!tpu.dma_semaphore, #tpu.memory_space<semaphore_mem>>) src(%dma_wait3A_541 : memref<1000x1000xf32, #tpu.memory_space<vmem_shared>>) dst(%dma_wait3A_536 : memref<32x1000xf32, #tpu.memory_space<vmem>>)
    %dma_wait3A_542 = arith.constant 0 : i32
    %dma_wait3A_543 = arith.constant 0 : i32
    %dma_wait3A_544 = arith.constant 0 : i32
    %dma_wait3A_545 = tpu.memref_slice %arg6[%dma_wait3A_542, %dma_wait3A_543, %dma_wait3A_544] : memref<2x32x1000xf32, #tpu.memory_space<vmem>> -> memref<1x32x1000xf32, #tpu.memory_space<vmem>>
    %dma_wait3A_546 = tpu.memref_squeeze %dma_wait3A_545 : memref<1x32x1000xf32, #tpu.memory_space<vmem>> -> memref<32x1000xf32, #tpu.memory_space<vmem>>
    %dma_wait3A_547 = arith.constant 0 : i32
    %dma_wait3A_548 = tpu.memref_slice %arg4[%add3A_518, %dma_wait3A_547] : memref<20480x1000xf32, #tpu.memory_space<hbm>> -> memref<32x1000xf32, #tpu.memory_space<hbm>>
    %dma_wait3A_549 = arith.constant 0 : i32
    %dma_wait3A_550 = tpu.memref_slice %arg4[%add3A_518, %dma_wait3A_549] : memref<20480x1000xf32, #tpu.memory_space<hbm>> -> memref<32x1000xf32, #tpu.memory_space<hbm>>
    %dma_wait3A_551 = arith.constant 0 : i32
    %dma_wait3A_552 = arith.constant 0 : i32
    %dma_wait3A_553 = tpu.memref_slice %arg6[%dma_wait3A_542, %dma_wait3A_551, %dma_wait3A_552] : memref<2x32x1000xf32, #tpu.memory_space<vmem>> -> memref<1x32x1000xf32, #tpu.memory_space<vmem>>
    %dma_wait3A_554 = tpu.memref_squeeze %dma_wait3A_553 : memref<1x32x1000xf32, #tpu.memory_space<vmem>> -> memref<32x1000xf32, #tpu.memory_space<vmem>>
    tpu.wait_dma2 semaphore(%arg10 : memref<!tpu.dma_semaphore, #tpu.memory_space<semaphore_mem>>) src(%dma_wait3A_554 : memref<32x1000xf32, #tpu.memory_space<vmem>>) dst(%dma_wait3A_550 : memref<32x1000xf32, #tpu.memory_space<hbm>>)
    %dma_start3A_555 = arith.constant 0 : i32
    %dma_start3A_556 = arith.constant 0 : i32
    %dma_start3A_557 = arith.constant 0 : i32
    %dma_start3A_558 = tpu.memref_slice %arg6[%dma_start3A_555, %dma_start3A_556, %dma_start3A_557] : memref<2x32x1000xf32, #tpu.memory_space<vmem>> -> memref<1x32x1000xf32, #tpu.memory_space<vmem>>
    %dma_start3A_559 = tpu.memref_squeeze %dma_start3A_558 : memref<1x32x1000xf32, #tpu.memory_space<vmem>> -> memref<32x1000xf32, #tpu.memory_space<vmem>>
    %dma_start3A_560 = arith.constant 384 : i32
    %dma_start3A_561 = tpu.memref_slice %arg5[%dma_start3A_560] : memref<640xi32, #tpu.memory_space<vmem>> -> memref<32xi32, #tpu.memory_space<vmem>>
    %dma_start3A_562 = arith.constant 0 : i32
    %dma_start3A_563 = arith.constant 0 : i32
    %dma_start3A_564 = tpu.memref_slice %arg7[%dma_start3A_562, %dma_start3A_563] : memref<1000x1000xf32, #tpu.memory_space<vmem_shared>> -> memref<1000x1000xf32, #tpu.memory_space<vmem_shared>>
    tpu.enqueue_indirect_dma source(%dma_start3A_564 : memref<1000x1000xf32, #tpu.memory_space<vmem_shared>>) target(%dma_start3A_559 : memref<32x1000xf32, #tpu.memory_space<vmem>>) offsets(%dma_start3A_561 : memref<32xi32, #tpu.memory_space<vmem>>) semaphore(%arg8 : memref<!tpu.dma_semaphore, #tpu.memory_space<semaphore_mem>>)
    %add3A_565 = arith.constant 352 : i32
    %add3A_566 = arith.addi %mul3A_2, %add3A_565 : i32
    %dma_start3A_567 = arith.constant 1 : i32
    %dma_start3A_568 = arith.constant 0 : i32
    %dma_start3A_569 = arith.constant 0 : i32
    %dma_start3A_570 = tpu.memref_slice %arg6[%dma_start3A_567, %dma_start3A_568, %dma_start3A_569] : memref<2x32x1000xf32, #tpu.memory_space<vmem>> -> memref<1x32x1000xf32, #tpu.memory_space<vmem>>
    %dma_start3A_571 = tpu.memref_squeeze %dma_start3A_570 : memref<1x32x1000xf32, #tpu.memory_space<vmem>> -> memref<32x1000xf32, #tpu.memory_space<vmem>>
    %dma_start3A_572 = arith.constant 0 : i32
    %dma_start3A_573 = tpu.memref_slice %arg4[%add3A_566, %dma_start3A_572] : memref<20480x1000xf32, #tpu.memory_space<hbm>> -> memref<32x1000xf32, #tpu.memory_space<hbm>>
    %dma_start3A_574 = arith.constant 0 : i32
    %dma_start3A_575 = tpu.memref_slice %arg4[%add3A_566, %dma_start3A_574] : memref<20480x1000xf32, #tpu.memory_space<hbm>> -> memref<32x1000xf32, #tpu.memory_space<hbm>>
    %dma_start3A_576 = arith.constant 0 : i32
    %dma_start3A_577 = arith.constant 0 : i32
    %dma_start3A_578 = tpu.memref_slice %arg6[%dma_start3A_567, %dma_start3A_576, %dma_start3A_577] : memref<2x32x1000xf32, #tpu.memory_space<vmem>> -> memref<1x32x1000xf32, #tpu.memory_space<vmem>>
    %dma_start3A_579 = tpu.memref_squeeze %dma_start3A_578 : memref<1x32x1000xf32, #tpu.memory_space<vmem>> -> memref<32x1000xf32, #tpu.memory_space<vmem>>
    tpu.enqueue_dma source(%dma_start3A_579 : memref<32x1000xf32, #tpu.memory_space<vmem>>) target(%dma_start3A_575 : memref<32x1000xf32, #tpu.memory_space<hbm>>) target_semaphore(%arg11 : memref<!tpu.dma_semaphore, #tpu.memory_space<semaphore_mem>>)
    %dma_wait3A_580 = arith.constant 0 : i32
    %dma_wait3A_581 = arith.constant 0 : i32
    %dma_wait3A_582 = arith.constant 0 : i32
    %dma_wait3A_583 = tpu.memref_slice %arg6[%dma_wait3A_580, %dma_wait3A_581, %dma_wait3A_582] : memref<2x32x1000xf32, #tpu.memory_space<vmem>> -> memref<1x32x1000xf32, #tpu.memory_space<vmem>>
    %dma_wait3A_584 = tpu.memref_squeeze %dma_wait3A_583 : memref<1x32x1000xf32, #tpu.memory_space<vmem>> -> memref<32x1000xf32, #tpu.memory_space<vmem>>
    %dma_wait3A_585 = arith.constant 384 : i32
    %dma_wait3A_586 = tpu.memref_slice %arg5[%dma_wait3A_585] : memref<640xi32, #tpu.memory_space<vmem>> -> memref<32xi32, #tpu.memory_space<vmem>>
    %dma_wait3A_587 = arith.constant 0 : i32
    %dma_wait3A_588 = arith.constant 0 : i32
    %dma_wait3A_589 = tpu.memref_slice %arg7[%dma_wait3A_587, %dma_wait3A_588] : memref<1000x1000xf32, #tpu.memory_space<vmem_shared>> -> memref<1000x1000xf32, #tpu.memory_space<vmem_shared>>
    tpu.wait_indirect_dma semaphore(%arg8 : memref<!tpu.dma_semaphore, #tpu.memory_space<semaphore_mem>>) src(%dma_wait3A_589 : memref<1000x1000xf32, #tpu.memory_space<vmem_shared>>) dst(%dma_wait3A_584 : memref<32x1000xf32, #tpu.memory_space<vmem>>)
    %dma_wait3A_590 = arith.constant 1 : i32
    %dma_wait3A_591 = arith.constant 0 : i32
    %dma_wait3A_592 = arith.constant 0 : i32
    %dma_wait3A_593 = tpu.memref_slice %arg6[%dma_wait3A_590, %dma_wait3A_591, %dma_wait3A_592] : memref<2x32x1000xf32, #tpu.memory_space<vmem>> -> memref<1x32x1000xf32, #tpu.memory_space<vmem>>
    %dma_wait3A_594 = tpu.memref_squeeze %dma_wait3A_593 : memref<1x32x1000xf32, #tpu.memory_space<vmem>> -> memref<32x1000xf32, #tpu.memory_space<vmem>>
    %dma_wait3A_595 = arith.constant 0 : i32
    %dma_wait3A_596 = tpu.memref_slice %arg4[%add3A_566, %dma_wait3A_595] : memref<20480x1000xf32, #tpu.memory_space<hbm>> -> memref<32x1000xf32, #tpu.memory_space<hbm>>
    %dma_wait3A_597 = arith.constant 0 : i32
    %dma_wait3A_598 = tpu.memref_slice %arg4[%add3A_566, %dma_wait3A_597] : memref<20480x1000xf32, #tpu.memory_space<hbm>> -> memref<32x1000xf32, #tpu.memory_space<hbm>>
    %dma_wait3A_599 = arith.constant 0 : i32
    %dma_wait3A_600 = arith.constant 0 : i32
    %dma_wait3A_601 = tpu.memref_slice %arg6[%dma_wait3A_590, %dma_wait3A_599, %dma_wait3A_600] : memref<2x32x1000xf32, #tpu.memory_space<vmem>> -> memref<1x32x1000xf32, #tpu.memory_space<vmem>>
    %dma_wait3A_602 = tpu.memref_squeeze %dma_wait3A_601 : memref<1x32x1000xf32, #tpu.memory_space<vmem>> -> memref<32x1000xf32, #tpu.memory_space<vmem>>
    tpu.wait_dma2 semaphore(%arg11 : memref<!tpu.dma_semaphore, #tpu.memory_space<semaphore_mem>>) src(%dma_wait3A_602 : memref<32x1000xf32, #tpu.memory_space<vmem>>) dst(%dma_wait3A_598 : memref<32x1000xf32, #tpu.memory_space<hbm>>)
    %dma_start3A_603 = arith.constant 1 : i32
    %dma_start3A_604 = arith.constant 0 : i32
    %dma_start3A_605 = arith.constant 0 : i32
    %dma_start3A_606 = tpu.memref_slice %arg6[%dma_start3A_603, %dma_start3A_604, %dma_start3A_605] : memref<2x32x1000xf32, #tpu.memory_space<vmem>> -> memref<1x32x1000xf32, #tpu.memory_space<vmem>>
    %dma_start3A_607 = tpu.memref_squeeze %dma_start3A_606 : memref<1x32x1000xf32, #tpu.memory_space<vmem>> -> memref<32x1000xf32, #tpu.memory_space<vmem>>
    %dma_start3A_608 = arith.constant 416 : i32
    %dma_start3A_609 = tpu.memref_slice %arg5[%dma_start3A_608] : memref<640xi32, #tpu.memory_space<vmem>> -> memref<32xi32, #tpu.memory_space<vmem>>
    %dma_start3A_610 = arith.constant 0 : i32
    %dma_start3A_611 = arith.constant 0 : i32
    %dma_start3A_612 = tpu.memref_slice %arg7[%dma_start3A_610, %dma_start3A_611] : memref<1000x1000xf32, #tpu.memory_space<vmem_shared>> -> memref<1000x1000xf32, #tpu.memory_space<vmem_shared>>
    tpu.enqueue_indirect_dma source(%dma_start3A_612 : memref<1000x1000xf32, #tpu.memory_space<vmem_shared>>) target(%dma_start3A_607 : memref<32x1000xf32, #tpu.memory_space<vmem>>) offsets(%dma_start3A_609 : memref<32xi32, #tpu.memory_space<vmem>>) semaphore(%arg9 : memref<!tpu.dma_semaphore, #tpu.memory_space<semaphore_mem>>)
    %add3A_613 = arith.constant 384 : i32
    %add3A_614 = arith.addi %mul3A_2, %add3A_613 : i32
    %dma_start3A_615 = arith.constant 0 : i32
    %dma_start3A_616 = arith.constant 0 : i32
    %dma_start3A_617 = arith.constant 0 : i32
    %dma_start3A_618 = tpu.memref_slice %arg6[%dma_start3A_615, %dma_start3A_616, %dma_start3A_617] : memref<2x32x1000xf32, #tpu.memory_space<vmem>> -> memref<1x32x1000xf32, #tpu.memory_space<vmem>>
    %dma_start3A_619 = tpu.memref_squeeze %dma_start3A_618 : memref<1x32x1000xf32, #tpu.memory_space<vmem>> -> memref<32x1000xf32, #tpu.memory_space<vmem>>
    %dma_start3A_620 = arith.constant 0 : i32
    %dma_start3A_621 = tpu.memref_slice %arg4[%add3A_614, %dma_start3A_620] : memref<20480x1000xf32, #tpu.memory_space<hbm>> -> memref<32x1000xf32, #tpu.memory_space<hbm>>
    %dma_start3A_622 = arith.constant 0 : i32
    %dma_start3A_623 = tpu.memref_slice %arg4[%add3A_614, %dma_start3A_622] : memref<20480x1000xf32, #tpu.memory_space<hbm>> -> memref<32x1000xf32, #tpu.memory_space<hbm>>
    %dma_start3A_624 = arith.constant 0 : i32
    %dma_start3A_625 = arith.constant 0 : i32
    %dma_start3A_626 = tpu.memref_slice %arg6[%dma_start3A_615, %dma_start3A_624, %dma_start3A_625] : memref<2x32x1000xf32, #tpu.memory_space<vmem>> -> memref<1x32x1000xf32, #tpu.memory_space<vmem>>
    %dma_start3A_627 = tpu.memref_squeeze %dma_start3A_626 : memref<1x32x1000xf32, #tpu.memory_space<vmem>> -> memref<32x1000xf32, #tpu.memory_space<vmem>>
    tpu.enqueue_dma source(%dma_start3A_627 : memref<32x1000xf32, #tpu.memory_space<vmem>>) target(%dma_start3A_623 : memref<32x1000xf32, #tpu.memory_space<hbm>>) target_semaphore(%arg10 : memref<!tpu.dma_semaphore, #tpu.memory_space<semaphore_mem>>)
    %dma_wait3A_628 = arith.constant 1 : i32
    %dma_wait3A_629 = arith.constant 0 : i32
    %dma_wait3A_630 = arith.constant 0 : i32
    %dma_wait3A_631 = tpu.memref_slice %arg6[%dma_wait3A_628, %dma_wait3A_629, %dma_wait3A_630] : memref<2x32x1000xf32, #tpu.memory_space<vmem>> -> memref<1x32x1000xf32, #tpu.memory_space<vmem>>
    %dma_wait3A_632 = tpu.memref_squeeze %dma_wait3A_631 : memref<1x32x1000xf32, #tpu.memory_space<vmem>> -> memref<32x1000xf32, #tpu.memory_space<vmem>>
    %dma_wait3A_633 = arith.constant 416 : i32
    %dma_wait3A_634 = tpu.memref_slice %arg5[%dma_wait3A_633] : memref<640xi32, #tpu.memory_space<vmem>> -> memref<32xi32, #tpu.memory_space<vmem>>
    %dma_wait3A_635 = arith.constant 0 : i32
    %dma_wait3A_636 = arith.constant 0 : i32
    %dma_wait3A_637 = tpu.memref_slice %arg7[%dma_wait3A_635, %dma_wait3A_636] : memref<1000x1000xf32, #tpu.memory_space<vmem_shared>> -> memref<1000x1000xf32, #tpu.memory_space<vmem_shared>>
    tpu.wait_indirect_dma semaphore(%arg9 : memref<!tpu.dma_semaphore, #tpu.memory_space<semaphore_mem>>) src(%dma_wait3A_637 : memref<1000x1000xf32, #tpu.memory_space<vmem_shared>>) dst(%dma_wait3A_632 : memref<32x1000xf32, #tpu.memory_space<vmem>>)
    %dma_wait3A_638 = arith.constant 0 : i32
    %dma_wait3A_639 = arith.constant 0 : i32
    %dma_wait3A_640 = arith.constant 0 : i32
    %dma_wait3A_641 = tpu.memref_slice %arg6[%dma_wait3A_638, %dma_wait3A_639, %dma_wait3A_640] : memref<2x32x1000xf32, #tpu.memory_space<vmem>> -> memref<1x32x1000xf32, #tpu.memory_space<vmem>>
    %dma_wait3A_642 = tpu.memref_squeeze %dma_wait3A_641 : memref<1x32x1000xf32, #tpu.memory_space<vmem>> -> memref<32x1000xf32, #tpu.memory_space<vmem>>
    %dma_wait3A_643 = arith.constant 0 : i32
    %dma_wait3A_644 = tpu.memref_slice %arg4[%add3A_614, %dma_wait3A_643] : memref<20480x1000xf32, #tpu.memory_space<hbm>> -> memref<32x1000xf32, #tpu.memory_space<hbm>>
    %dma_wait3A_645 = arith.constant 0 : i32
    %dma_wait3A_646 = tpu.memref_slice %arg4[%add3A_614, %dma_wait3A_645] : memref<20480x1000xf32, #tpu.memory_space<hbm>> -> memref<32x1000xf32, #tpu.memory_space<hbm>>
    %dma_wait3A_647 = arith.constant 0 : i32
    %dma_wait3A_648 = arith.constant 0 : i32
    %dma_wait3A_649 = tpu.memref_slice %arg6[%dma_wait3A_638, %dma_wait3A_647, %dma_wait3A_648] : memref<2x32x1000xf32, #tpu.memory_space<vmem>> -> memref<1x32x1000xf32, #tpu.memory_space<vmem>>
    %dma_wait3A_650 = tpu.memref_squeeze %dma_wait3A_649 : memref<1x32x1000xf32, #tpu.memory_space<vmem>> -> memref<32x1000xf32, #tpu.memory_space<vmem>>
    tpu.wait_dma2 semaphore(%arg10 : memref<!tpu.dma_semaphore, #tpu.memory_space<semaphore_mem>>) src(%dma_wait3A_650 : memref<32x1000xf32, #tpu.memory_space<vmem>>) dst(%dma_wait3A_646 : memref<32x1000xf32, #tpu.memory_space<hbm>>)
    %dma_start3A_651 = arith.constant 0 : i32
    %dma_start3A_652 = arith.constant 0 : i32
    %dma_start3A_653 = arith.constant 0 : i32
    %dma_start3A_654 = tpu.memref_slice %arg6[%dma_start3A_651, %dma_start3A_652, %dma_start3A_653] : memref<2x32x1000xf32, #tpu.memory_space<vmem>> -> memref<1x32x1000xf32, #tpu.memory_space<vmem>>
    %dma_start3A_655 = tpu.memref_squeeze %dma_start3A_654 : memref<1x32x1000xf32, #tpu.memory_space<vmem>> -> memref<32x1000xf32, #tpu.memory_space<vmem>>
    %dma_start3A_656 = arith.constant 448 : i32
    %dma_start3A_657 = tpu.memref_slice %arg5[%dma_start3A_656] : memref<640xi32, #tpu.memory_space<vmem>> -> memref<32xi32, #tpu.memory_space<vmem>>
    %dma_start3A_658 = arith.constant 0 : i32
    %dma_start3A_659 = arith.constant 0 : i32
    %dma_start3A_660 = tpu.memref_slice %arg7[%dma_start3A_658, %dma_start3A_659] : memref<1000x1000xf32, #tpu.memory_space<vmem_shared>> -> memref<1000x1000xf32, #tpu.memory_space<vmem_shared>>
    tpu.enqueue_indirect_dma source(%dma_start3A_660 : memref<1000x1000xf32, #tpu.memory_space<vmem_shared>>) target(%dma_start3A_655 : memref<32x1000xf32, #tpu.memory_space<vmem>>) offsets(%dma_start3A_657 : memref<32xi32, #tpu.memory_space<vmem>>) semaphore(%arg8 : memref<!tpu.dma_semaphore, #tpu.memory_space<semaphore_mem>>)
    %add3A_661 = arith.constant 416 : i32
    %add3A_662 = arith.addi %mul3A_2, %add3A_661 : i32
    %dma_start3A_663 = arith.constant 1 : i32
    %dma_start3A_664 = arith.constant 0 : i32
    %dma_start3A_665 = arith.constant 0 : i32
    %dma_start3A_666 = tpu.memref_slice %arg6[%dma_start3A_663, %dma_start3A_664, %dma_start3A_665] : memref<2x32x1000xf32, #tpu.memory_space<vmem>> -> memref<1x32x1000xf32, #tpu.memory_space<vmem>>
    %dma_start3A_667 = tpu.memref_squeeze %dma_start3A_666 : memref<1x32x1000xf32, #tpu.memory_space<vmem>> -> memref<32x1000xf32, #tpu.memory_space<vmem>>
    %dma_start3A_668 = arith.constant 0 : i32
    %dma_start3A_669 = tpu.memref_slice %arg4[%add3A_662, %dma_start3A_668] : memref<20480x1000xf32, #tpu.memory_space<hbm>> -> memref<32x1000xf32, #tpu.memory_space<hbm>>
    %dma_start3A_670 = arith.constant 0 : i32
    %dma_start3A_671 = tpu.memref_slice %arg4[%add3A_662, %dma_start3A_670] : memref<20480x1000xf32, #tpu.memory_space<hbm>> -> memref<32x1000xf32, #tpu.memory_space<hbm>>
    %dma_start3A_672 = arith.constant 0 : i32
    %dma_start3A_673 = arith.constant 0 : i32
    %dma_start3A_674 = tpu.memref_slice %arg6[%dma_start3A_663, %dma_start3A_672, %dma_start3A_673] : memref<2x32x1000xf32, #tpu.memory_space<vmem>> -> memref<1x32x1000xf32, #tpu.memory_space<vmem>>
    %dma_start3A_675 = tpu.memref_squeeze %dma_start3A_674 : memref<1x32x1000xf32, #tpu.memory_space<vmem>> -> memref<32x1000xf32, #tpu.memory_space<vmem>>
    tpu.enqueue_dma source(%dma_start3A_675 : memref<32x1000xf32, #tpu.memory_space<vmem>>) target(%dma_start3A_671 : memref<32x1000xf32, #tpu.memory_space<hbm>>) target_semaphore(%arg11 : memref<!tpu.dma_semaphore, #tpu.memory_space<semaphore_mem>>)
    %dma_wait3A_676 = arith.constant 0 : i32
    %dma_wait3A_677 = arith.constant 0 : i32
    %dma_wait3A_678 = arith.constant 0 : i32
    %dma_wait3A_679 = tpu.memref_slice %arg6[%dma_wait3A_676, %dma_wait3A_677, %dma_wait3A_678] : memref<2x32x1000xf32, #tpu.memory_space<vmem>> -> memref<1x32x1000xf32, #tpu.memory_space<vmem>>
    %dma_wait3A_680 = tpu.memref_squeeze %dma_wait3A_679 : memref<1x32x1000xf32, #tpu.memory_space<vmem>> -> memref<32x1000xf32, #tpu.memory_space<vmem>>
    %dma_wait3A_681 = arith.constant 448 : i32
    %dma_wait3A_682 = tpu.memref_slice %arg5[%dma_wait3A_681] : memref<640xi32, #tpu.memory_space<vmem>> -> memref<32xi32, #tpu.memory_space<vmem>>
    %dma_wait3A_683 = arith.constant 0 : i32
    %dma_wait3A_684 = arith.constant 0 : i32
    %dma_wait3A_685 = tpu.memref_slice %arg7[%dma_wait3A_683, %dma_wait3A_684] : memref<1000x1000xf32, #tpu.memory_space<vmem_shared>> -> memref<1000x1000xf32, #tpu.memory_space<vmem_shared>>
    tpu.wait_indirect_dma semaphore(%arg8 : memref<!tpu.dma_semaphore, #tpu.memory_space<semaphore_mem>>) src(%dma_wait3A_685 : memref<1000x1000xf32, #tpu.memory_space<vmem_shared>>) dst(%dma_wait3A_680 : memref<32x1000xf32, #tpu.memory_space<vmem>>)
    %dma_wait3A_686 = arith.constant 1 : i32
    %dma_wait3A_687 = arith.constant 0 : i32
    %dma_wait3A_688 = arith.constant 0 : i32
    %dma_wait3A_689 = tpu.memref_slice %arg6[%dma_wait3A_686, %dma_wait3A_687, %dma_wait3A_688] : memref<2x32x1000xf32, #tpu.memory_space<vmem>> -> memref<1x32x1000xf32, #tpu.memory_space<vmem>>
    %dma_wait3A_690 = tpu.memref_squeeze %dma_wait3A_689 : memref<1x32x1000xf32, #tpu.memory_space<vmem>> -> memref<32x1000xf32, #tpu.memory_space<vmem>>
    %dma_wait3A_691 = arith.constant 0 : i32
    %dma_wait3A_692 = tpu.memref_slice %arg4[%add3A_662, %dma_wait3A_691] : memref<20480x1000xf32, #tpu.memory_space<hbm>> -> memref<32x1000xf32, #tpu.memory_space<hbm>>
    %dma_wait3A_693 = arith.constant 0 : i32
    %dma_wait3A_694 = tpu.memref_slice %arg4[%add3A_662, %dma_wait3A_693] : memref<20480x1000xf32, #tpu.memory_space<hbm>> -> memref<32x1000xf32, #tpu.memory_space<hbm>>
    %dma_wait3A_695 = arith.constant 0 : i32
    %dma_wait3A_696 = arith.constant 0 : i32
    %dma_wait3A_697 = tpu.memref_slice %arg6[%dma_wait3A_686, %dma_wait3A_695, %dma_wait3A_696] : memref<2x32x1000xf32, #tpu.memory_space<vmem>> -> memref<1x32x1000xf32, #tpu.memory_space<vmem>>
    %dma_wait3A_698 = tpu.memref_squeeze %dma_wait3A_697 : memref<1x32x1000xf32, #tpu.memory_space<vmem>> -> memref<32x1000xf32, #tpu.memory_space<vmem>>
    tpu.wait_dma2 semaphore(%arg11 : memref<!tpu.dma_semaphore, #tpu.memory_space<semaphore_mem>>) src(%dma_wait3A_698 : memref<32x1000xf32, #tpu.memory_space<vmem>>) dst(%dma_wait3A_694 : memref<32x1000xf32, #tpu.memory_space<hbm>>)
    %dma_start3A_699 = arith.constant 1 : i32
    %dma_start3A_700 = arith.constant 0 : i32
    %dma_start3A_701 = arith.constant 0 : i32
    %dma_start3A_702 = tpu.memref_slice %arg6[%dma_start3A_699, %dma_start3A_700, %dma_start3A_701] : memref<2x32x1000xf32, #tpu.memory_space<vmem>> -> memref<1x32x1000xf32, #tpu.memory_space<vmem>>
    %dma_start3A_703 = tpu.memref_squeeze %dma_start3A_702 : memref<1x32x1000xf32, #tpu.memory_space<vmem>> -> memref<32x1000xf32, #tpu.memory_space<vmem>>
    %dma_start3A_704 = arith.constant 480 : i32
    %dma_start3A_705 = tpu.memref_slice %arg5[%dma_start3A_704] : memref<640xi32, #tpu.memory_space<vmem>> -> memref<32xi32, #tpu.memory_space<vmem>>
    %dma_start3A_706 = arith.constant 0 : i32
    %dma_start3A_707 = arith.constant 0 : i32
    %dma_start3A_708 = tpu.memref_slice %arg7[%dma_start3A_706, %dma_start3A_707] : memref<1000x1000xf32, #tpu.memory_space<vmem_shared>> -> memref<1000x1000xf32, #tpu.memory_space<vmem_shared>>
    tpu.enqueue_indirect_dma source(%dma_start3A_708 : memref<1000x1000xf32, #tpu.memory_space<vmem_shared>>) target(%dma_start3A_703 : memref<32x1000xf32, #tpu.memory_space<vmem>>) offsets(%dma_start3A_705 : memref<32xi32, #tpu.memory_space<vmem>>) semaphore(%arg9 : memref<!tpu.dma_semaphore, #tpu.memory_space<semaphore_mem>>)
    %add3A_709 = arith.constant 448 : i32
    %add3A_710 = arith.addi %mul3A_2, %add3A_709 : i32
    %dma_start3A_711 = arith.constant 0 : i32
    %dma_start3A_712 = arith.constant 0 : i32
    %dma_start3A_713 = arith.constant 0 : i32
    %dma_start3A_714 = tpu.memref_slice %arg6[%dma_start3A_711, %dma_start3A_712, %dma_start3A_713] : memref<2x32x1000xf32, #tpu.memory_space<vmem>> -> memref<1x32x1000xf32, #tpu.memory_space<vmem>>
    %dma_start3A_715 = tpu.memref_squeeze %dma_start3A_714 : memref<1x32x1000xf32, #tpu.memory_space<vmem>> -> memref<32x1000xf32, #tpu.memory_space<vmem>>
    %dma_start3A_716 = arith.constant 0 : i32
    %dma_start3A_717 = tpu.memref_slice %arg4[%add3A_710, %dma_start3A_716] : memref<20480x1000xf32, #tpu.memory_space<hbm>> -> memref<32x1000xf32, #tpu.memory_space<hbm>>
    %dma_start3A_718 = arith.constant 0 : i32
    %dma_start3A_719 = tpu.memref_slice %arg4[%add3A_710, %dma_start3A_718] : memref<20480x1000xf32, #tpu.memory_space<hbm>> -> memref<32x1000xf32, #tpu.memory_space<hbm>>
    %dma_start3A_720 = arith.constant 0 : i32
    %dma_start3A_721 = arith.constant 0 : i32
    %dma_start3A_722 = tpu.memref_slice %arg6[%dma_start3A_711, %dma_start3A_720, %dma_start3A_721] : memref<2x32x1000xf32, #tpu.memory_space<vmem>> -> memref<1x32x1000xf32, #tpu.memory_space<vmem>>
    %dma_start3A_723 = tpu.memref_squeeze %dma_start3A_722 : memref<1x32x1000xf32, #tpu.memory_space<vmem>> -> memref<32x1000xf32, #tpu.memory_space<vmem>>
    tpu.enqueue_dma source(%dma_start3A_723 : memref<32x1000xf32, #tpu.memory_space<vmem>>) target(%dma_start3A_719 : memref<32x1000xf32, #tpu.memory_space<hbm>>) target_semaphore(%arg10 : memref<!tpu.dma_semaphore, #tpu.memory_space<semaphore_mem>>)
    %dma_wait3A_724 = arith.constant 1 : i32
    %dma_wait3A_725 = arith.constant 0 : i32
    %dma_wait3A_726 = arith.constant 0 : i32
    %dma_wait3A_727 = tpu.memref_slice %arg6[%dma_wait3A_724, %dma_wait3A_725, %dma_wait3A_726] : memref<2x32x1000xf32, #tpu.memory_space<vmem>> -> memref<1x32x1000xf32, #tpu.memory_space<vmem>>
    %dma_wait3A_728 = tpu.memref_squeeze %dma_wait3A_727 : memref<1x32x1000xf32, #tpu.memory_space<vmem>> -> memref<32x1000xf32, #tpu.memory_space<vmem>>
    %dma_wait3A_729 = arith.constant 480 : i32
    %dma_wait3A_730 = tpu.memref_slice %arg5[%dma_wait3A_729] : memref<640xi32, #tpu.memory_space<vmem>> -> memref<32xi32, #tpu.memory_space<vmem>>
    %dma_wait3A_731 = arith.constant 0 : i32
    %dma_wait3A_732 = arith.constant 0 : i32
    %dma_wait3A_733 = tpu.memref_slice %arg7[%dma_wait3A_731, %dma_wait3A_732] : memref<1000x1000xf32, #tpu.memory_space<vmem_shared>> -> memref<1000x1000xf32, #tpu.memory_space<vmem_shared>>
    tpu.wait_indirect_dma semaphore(%arg9 : memref<!tpu.dma_semaphore, #tpu.memory_space<semaphore_mem>>) src(%dma_wait3A_733 : memref<1000x1000xf32, #tpu.memory_space<vmem_shared>>) dst(%dma_wait3A_728 : memref<32x1000xf32, #tpu.memory_space<vmem>>)
    %dma_wait3A_734 = arith.constant 0 : i32
    %dma_wait3A_735 = arith.constant 0 : i32
    %dma_wait3A_736 = arith.constant 0 : i32
    %dma_wait3A_737 = tpu.memref_slice %arg6[%dma_wait3A_734, %dma_wait3A_735, %dma_wait3A_736] : memref<2x32x1000xf32, #tpu.memory_space<vmem>> -> memref<1x32x1000xf32, #tpu.memory_space<vmem>>
    %dma_wait3A_738 = tpu.memref_squeeze %dma_wait3A_737 : memref<1x32x1000xf32, #tpu.memory_space<vmem>> -> memref<32x1000xf32, #tpu.memory_space<vmem>>
    %dma_wait3A_739 = arith.constant 0 : i32
    %dma_wait3A_740 = tpu.memref_slice %arg4[%add3A_710, %dma_wait3A_739] : memref<20480x1000xf32, #tpu.memory_space<hbm>> -> memref<32x1000xf32, #tpu.memory_space<hbm>>
    %dma_wait3A_741 = arith.constant 0 : i32
    %dma_wait3A_742 = tpu.memref_slice %arg4[%add3A_710, %dma_wait3A_741] : memref<20480x1000xf32, #tpu.memory_space<hbm>> -> memref<32x1000xf32, #tpu.memory_space<hbm>>
    %dma_wait3A_743 = arith.constant 0 : i32
    %dma_wait3A_744 = arith.constant 0 : i32
    %dma_wait3A_745 = tpu.memref_slice %arg6[%dma_wait3A_734, %dma_wait3A_743, %dma_wait3A_744] : memref<2x32x1000xf32, #tpu.memory_space<vmem>> -> memref<1x32x1000xf32, #tpu.memory_space<vmem>>
    %dma_wait3A_746 = tpu.memref_squeeze %dma_wait3A_745 : memref<1x32x1000xf32, #tpu.memory_space<vmem>> -> memref<32x1000xf32, #tpu.memory_space<vmem>>
    tpu.wait_dma2 semaphore(%arg10 : memref<!tpu.dma_semaphore, #tpu.memory_space<semaphore_mem>>) src(%dma_wait3A_746 : memref<32x1000xf32, #tpu.memory_space<vmem>>) dst(%dma_wait3A_742 : memref<32x1000xf32, #tpu.memory_space<hbm>>)
    %dma_start3A_747 = arith.constant 0 : i32
    %dma_start3A_748 = arith.constant 0 : i32
    %dma_start3A_749 = arith.constant 0 : i32
    %dma_start3A_750 = tpu.memref_slice %arg6[%dma_start3A_747, %dma_start3A_748, %dma_start3A_749] : memref<2x32x1000xf32, #tpu.memory_space<vmem>> -> memref<1x32x1000xf32, #tpu.memory_space<vmem>>
    %dma_start3A_751 = tpu.memref_squeeze %dma_start3A_750 : memref<1x32x1000xf32, #tpu.memory_space<vmem>> -> memref<32x1000xf32, #tpu.memory_space<vmem>>
    %dma_start3A_752 = arith.constant 512 : i32
    %dma_start3A_753 = tpu.memref_slice %arg5[%dma_start3A_752] : memref<640xi32, #tpu.memory_space<vmem>> -> memref<32xi32, #tpu.memory_space<vmem>>
    %dma_start3A_754 = arith.constant 0 : i32
    %dma_start3A_755 = arith.constant 0 : i32
    %dma_start3A_756 = tpu.memref_slice %arg7[%dma_start3A_754, %dma_start3A_755] : memref<1000x1000xf32, #tpu.memory_space<vmem_shared>> -> memref<1000x1000xf32, #tpu.memory_space<vmem_shared>>
    tpu.enqueue_indirect_dma source(%dma_start3A_756 : memref<1000x1000xf32, #tpu.memory_space<vmem_shared>>) target(%dma_start3A_751 : memref<32x1000xf32, #tpu.memory_space<vmem>>) offsets(%dma_start3A_753 : memref<32xi32, #tpu.memory_space<vmem>>) semaphore(%arg8 : memref<!tpu.dma_semaphore, #tpu.memory_space<semaphore_mem>>)
    %add3A_757 = arith.constant 480 : i32
    %add3A_758 = arith.addi %mul3A_2, %add3A_757 : i32
    %dma_start3A_759 = arith.constant 1 : i32
    %dma_start3A_760 = arith.constant 0 : i32
    %dma_start3A_761 = arith.constant 0 : i32
    %dma_start3A_762 = tpu.memref_slice %arg6[%dma_start3A_759, %dma_start3A_760, %dma_start3A_761] : memref<2x32x1000xf32, #tpu.memory_space<vmem>> -> memref<1x32x1000xf32, #tpu.memory_space<vmem>>
    %dma_start3A_763 = tpu.memref_squeeze %dma_start3A_762 : memref<1x32x1000xf32, #tpu.memory_space<vmem>> -> memref<32x1000xf32, #tpu.memory_space<vmem>>
    %dma_start3A_764 = arith.constant 0 : i32
    %dma_start3A_765 = tpu.memref_slice %arg4[%add3A_758, %dma_start3A_764] : memref<20480x1000xf32, #tpu.memory_space<hbm>> -> memref<32x1000xf32, #tpu.memory_space<hbm>>
    %dma_start3A_766 = arith.constant 0 : i32
    %dma_start3A_767 = tpu.memref_slice %arg4[%add3A_758, %dma_start3A_766] : memref<20480x1000xf32, #tpu.memory_space<hbm>> -> memref<32x1000xf32, #tpu.memory_space<hbm>>
    %dma_start3A_768 = arith.constant 0 : i32
    %dma_start3A_769 = arith.constant 0 : i32
    %dma_start3A_770 = tpu.memref_slice %arg6[%dma_start3A_759, %dma_start3A_768, %dma_start3A_769] : memref<2x32x1000xf32, #tpu.memory_space<vmem>> -> memref<1x32x1000xf32, #tpu.memory_space<vmem>>
    %dma_start3A_771 = tpu.memref_squeeze %dma_start3A_770 : memref<1x32x1000xf32, #tpu.memory_space<vmem>> -> memref<32x1000xf32, #tpu.memory_space<vmem>>
    tpu.enqueue_dma source(%dma_start3A_771 : memref<32x1000xf32, #tpu.memory_space<vmem>>) target(%dma_start3A_767 : memref<32x1000xf32, #tpu.memory_space<hbm>>) target_semaphore(%arg11 : memref<!tpu.dma_semaphore, #tpu.memory_space<semaphore_mem>>)
    %dma_wait3A_772 = arith.constant 0 : i32
    %dma_wait3A_773 = arith.constant 0 : i32
    %dma_wait3A_774 = arith.constant 0 : i32
    %dma_wait3A_775 = tpu.memref_slice %arg6[%dma_wait3A_772, %dma_wait3A_773, %dma_wait3A_774] : memref<2x32x1000xf32, #tpu.memory_space<vmem>> -> memref<1x32x1000xf32, #tpu.memory_space<vmem>>
    %dma_wait3A_776 = tpu.memref_squeeze %dma_wait3A_775 : memref<1x32x1000xf32, #tpu.memory_space<vmem>> -> memref<32x1000xf32, #tpu.memory_space<vmem>>
    %dma_wait3A_777 = arith.constant 512 : i32
    %dma_wait3A_778 = tpu.memref_slice %arg5[%dma_wait3A_777] : memref<640xi32, #tpu.memory_space<vmem>> -> memref<32xi32, #tpu.memory_space<vmem>>
    %dma_wait3A_779 = arith.constant 0 : i32
    %dma_wait3A_780 = arith.constant 0 : i32
    %dma_wait3A_781 = tpu.memref_slice %arg7[%dma_wait3A_779, %dma_wait3A_780] : memref<1000x1000xf32, #tpu.memory_space<vmem_shared>> -> memref<1000x1000xf32, #tpu.memory_space<vmem_shared>>
    tpu.wait_indirect_dma semaphore(%arg8 : memref<!tpu.dma_semaphore, #tpu.memory_space<semaphore_mem>>) src(%dma_wait3A_781 : memref<1000x1000xf32, #tpu.memory_space<vmem_shared>>) dst(%dma_wait3A_776 : memref<32x1000xf32, #tpu.memory_space<vmem>>)
    %dma_wait3A_782 = arith.constant 1 : i32
    %dma_wait3A_783 = arith.constant 0 : i32
    %dma_wait3A_784 = arith.constant 0 : i32
    %dma_wait3A_785 = tpu.memref_slice %arg6[%dma_wait3A_782, %dma_wait3A_783, %dma_wait3A_784] : memref<2x32x1000xf32, #tpu.memory_space<vmem>> -> memref<1x32x1000xf32, #tpu.memory_space<vmem>>
    %dma_wait3A_786 = tpu.memref_squeeze %dma_wait3A_785 : memref<1x32x1000xf32, #tpu.memory_space<vmem>> -> memref<32x1000xf32, #tpu.memory_space<vmem>>
    %dma_wait3A_787 = arith.constant 0 : i32
    %dma_wait3A_788 = tpu.memref_slice %arg4[%add3A_758, %dma_wait3A_787] : memref<20480x1000xf32, #tpu.memory_space<hbm>> -> memref<32x1000xf32, #tpu.memory_space<hbm>>
    %dma_wait3A_789 = arith.constant 0 : i32
    %dma_wait3A_790 = tpu.memref_slice %arg4[%add3A_758, %dma_wait3A_789] : memref<20480x1000xf32, #tpu.memory_space<hbm>> -> memref<32x1000xf32, #tpu.memory_space<hbm>>
    %dma_wait3A_791 = arith.constant 0 : i32
    %dma_wait3A_792 = arith.constant 0 : i32
    %dma_wait3A_793 = tpu.memref_slice %arg6[%dma_wait3A_782, %dma_wait3A_791, %dma_wait3A_792] : memref<2x32x1000xf32, #tpu.memory_space<vmem>> -> memref<1x32x1000xf32, #tpu.memory_space<vmem>>
    %dma_wait3A_794 = tpu.memref_squeeze %dma_wait3A_793 : memref<1x32x1000xf32, #tpu.memory_space<vmem>> -> memref<32x1000xf32, #tpu.memory_space<vmem>>
    tpu.wait_dma2 semaphore(%arg11 : memref<!tpu.dma_semaphore, #tpu.memory_space<semaphore_mem>>) src(%dma_wait3A_794 : memref<32x1000xf32, #tpu.memory_space<vmem>>) dst(%dma_wait3A_790 : memref<32x1000xf32, #tpu.memory_space<hbm>>)
    %dma_start3A_795 = arith.constant 1 : i32
    %dma_start3A_796 = arith.constant 0 : i32
    %dma_start3A_797 = arith.constant 0 : i32
    %dma_start3A_798 = tpu.memref_slice %arg6[%dma_start3A_795, %dma_start3A_796, %dma_start3A_797] : memref<2x32x1000xf32, #tpu.memory_space<vmem>> -> memref<1x32x1000xf32, #tpu.memory_space<vmem>>
    %dma_start3A_799 = tpu.memref_squeeze %dma_start3A_798 : memref<1x32x1000xf32, #tpu.memory_space<vmem>> -> memref<32x1000xf32, #tpu.memory_space<vmem>>
    %dma_start3A_800 = arith.constant 544 : i32
    %dma_start3A_801 = tpu.memref_slice %arg5[%dma_start3A_800] : memref<640xi32, #tpu.memory_space<vmem>> -> memref<32xi32, #tpu.memory_space<vmem>>
    %dma_start3A_802 = arith.constant 0 : i32
    %dma_start3A_803 = arith.constant 0 : i32
    %dma_start3A_804 = tpu.memref_slice %arg7[%dma_start3A_802, %dma_start3A_803] : memref<1000x1000xf32, #tpu.memory_space<vmem_shared>> -> memref<1000x1000xf32, #tpu.memory_space<vmem_shared>>
    tpu.enqueue_indirect_dma source(%dma_start3A_804 : memref<1000x1000xf32, #tpu.memory_space<vmem_shared>>) target(%dma_start3A_799 : memref<32x1000xf32, #tpu.memory_space<vmem>>) offsets(%dma_start3A_801 : memref<32xi32, #tpu.memory_space<vmem>>) semaphore(%arg9 : memref<!tpu.dma_semaphore, #tpu.memory_space<semaphore_mem>>)
    %add3A_805 = arith.constant 512 : i32
    %add3A_806 = arith.addi %mul3A_2, %add3A_805 : i32
    %dma_start3A_807 = arith.constant 0 : i32
    %dma_start3A_808 = arith.constant 0 : i32
    %dma_start3A_809 = arith.constant 0 : i32
    %dma_start3A_810 = tpu.memref_slice %arg6[%dma_start3A_807, %dma_start3A_808, %dma_start3A_809] : memref<2x32x1000xf32, #tpu.memory_space<vmem>> -> memref<1x32x1000xf32, #tpu.memory_space<vmem>>
    %dma_start3A_811 = tpu.memref_squeeze %dma_start3A_810 : memref<1x32x1000xf32, #tpu.memory_space<vmem>> -> memref<32x1000xf32, #tpu.memory_space<vmem>>
    %dma_start3A_812 = arith.constant 0 : i32
    %dma_start3A_813 = tpu.memref_slice %arg4[%add3A_806, %dma_start3A_812] : memref<20480x1000xf32, #tpu.memory_space<hbm>> -> memref<32x1000xf32, #tpu.memory_space<hbm>>
    %dma_start3A_814 = arith.constant 0 : i32
    %dma_start3A_815 = tpu.memref_slice %arg4[%add3A_806, %dma_start3A_814] : memref<20480x1000xf32, #tpu.memory_space<hbm>> -> memref<32x1000xf32, #tpu.memory_space<hbm>>
    %dma_start3A_816 = arith.constant 0 : i32
    %dma_start3A_817 = arith.constant 0 : i32
    %dma_start3A_818 = tpu.memref_slice %arg6[%dma_start3A_807, %dma_start3A_816, %dma_start3A_817] : memref<2x32x1000xf32, #tpu.memory_space<vmem>> -> memref<1x32x1000xf32, #tpu.memory_space<vmem>>
    %dma_start3A_819 = tpu.memref_squeeze %dma_start3A_818 : memref<1x32x1000xf32, #tpu.memory_space<vmem>> -> memref<32x1000xf32, #tpu.memory_space<vmem>>
    tpu.enqueue_dma source(%dma_start3A_819 : memref<32x1000xf32, #tpu.memory_space<vmem>>) target(%dma_start3A_815 : memref<32x1000xf32, #tpu.memory_space<hbm>>) target_semaphore(%arg10 : memref<!tpu.dma_semaphore, #tpu.memory_space<semaphore_mem>>)
    %dma_wait3A_820 = arith.constant 1 : i32
    %dma_wait3A_821 = arith.constant 0 : i32
    %dma_wait3A_822 = arith.constant 0 : i32
    %dma_wait3A_823 = tpu.memref_slice %arg6[%dma_wait3A_820, %dma_wait3A_821, %dma_wait3A_822] : memref<2x32x1000xf32, #tpu.memory_space<vmem>> -> memref<1x32x1000xf32, #tpu.memory_space<vmem>>
    %dma_wait3A_824 = tpu.memref_squeeze %dma_wait3A_823 : memref<1x32x1000xf32, #tpu.memory_space<vmem>> -> memref<32x1000xf32, #tpu.memory_space<vmem>>
    %dma_wait3A_825 = arith.constant 544 : i32
    %dma_wait3A_826 = tpu.memref_slice %arg5[%dma_wait3A_825] : memref<640xi32, #tpu.memory_space<vmem>> -> memref<32xi32, #tpu.memory_space<vmem>>
    %dma_wait3A_827 = arith.constant 0 : i32
    %dma_wait3A_828 = arith.constant 0 : i32
    %dma_wait3A_829 = tpu.memref_slice %arg7[%dma_wait3A_827, %dma_wait3A_828] : memref<1000x1000xf32, #tpu.memory_space<vmem_shared>> -> memref<1000x1000xf32, #tpu.memory_space<vmem_shared>>
    tpu.wait_indirect_dma semaphore(%arg9 : memref<!tpu.dma_semaphore, #tpu.memory_space<semaphore_mem>>) src(%dma_wait3A_829 : memref<1000x1000xf32, #tpu.memory_space<vmem_shared>>) dst(%dma_wait3A_824 : memref<32x1000xf32, #tpu.memory_space<vmem>>)
    %dma_wait3A_830 = arith.constant 0 : i32
    %dma_wait3A_831 = arith.constant 0 : i32
    %dma_wait3A_832 = arith.constant 0 : i32
    %dma_wait3A_833 = tpu.memref_slice %arg6[%dma_wait3A_830, %dma_wait3A_831, %dma_wait3A_832] : memref<2x32x1000xf32, #tpu.memory_space<vmem>> -> memref<1x32x1000xf32, #tpu.memory_space<vmem>>
    %dma_wait3A_834 = tpu.memref_squeeze %dma_wait3A_833 : memref<1x32x1000xf32, #tpu.memory_space<vmem>> -> memref<32x1000xf32, #tpu.memory_space<vmem>>
    %dma_wait3A_835 = arith.constant 0 : i32
    %dma_wait3A_836 = tpu.memref_slice %arg4[%add3A_806, %dma_wait3A_835] : memref<20480x1000xf32, #tpu.memory_space<hbm>> -> memref<32x1000xf32, #tpu.memory_space<hbm>>
    %dma_wait3A_837 = arith.constant 0 : i32
    %dma_wait3A_838 = tpu.memref_slice %arg4[%add3A_806, %dma_wait3A_837] : memref<20480x1000xf32, #tpu.memory_space<hbm>> -> memref<32x1000xf32, #tpu.memory_space<hbm>>
    %dma_wait3A_839 = arith.constant 0 : i32
    %dma_wait3A_840 = arith.constant 0 : i32
    %dma_wait3A_841 = tpu.memref_slice %arg6[%dma_wait3A_830, %dma_wait3A_839, %dma_wait3A_840] : memref<2x32x1000xf32, #tpu.memory_space<vmem>> -> memref<1x32x1000xf32, #tpu.memory_space<vmem>>
    %dma_wait3A_842 = tpu.memref_squeeze %dma_wait3A_841 : memref<1x32x1000xf32, #tpu.memory_space<vmem>> -> memref<32x1000xf32, #tpu.memory_space<vmem>>
    tpu.wait_dma2 semaphore(%arg10 : memref<!tpu.dma_semaphore, #tpu.memory_space<semaphore_mem>>) src(%dma_wait3A_842 : memref<32x1000xf32, #tpu.memory_space<vmem>>) dst(%dma_wait3A_838 : memref<32x1000xf32, #tpu.memory_space<hbm>>)
    %dma_start3A_843 = arith.constant 0 : i32
    %dma_start3A_844 = arith.constant 0 : i32
    %dma_start3A_845 = arith.constant 0 : i32
    %dma_start3A_846 = tpu.memref_slice %arg6[%dma_start3A_843, %dma_start3A_844, %dma_start3A_845] : memref<2x32x1000xf32, #tpu.memory_space<vmem>> -> memref<1x32x1000xf32, #tpu.memory_space<vmem>>
    %dma_start3A_847 = tpu.memref_squeeze %dma_start3A_846 : memref<1x32x1000xf32, #tpu.memory_space<vmem>> -> memref<32x1000xf32, #tpu.memory_space<vmem>>
    %dma_start3A_848 = arith.constant 576 : i32
    %dma_start3A_849 = tpu.memref_slice %arg5[%dma_start3A_848] : memref<640xi32, #tpu.memory_space<vmem>> -> memref<32xi32, #tpu.memory_space<vmem>>
    %dma_start3A_850 = arith.constant 0 : i32
    %dma_start3A_851 = arith.constant 0 : i32
    %dma_start3A_852 = tpu.memref_slice %arg7[%dma_start3A_850, %dma_start3A_851] : memref<1000x1000xf32, #tpu.memory_space<vmem_shared>> -> memref<1000x1000xf32, #tpu.memory_space<vmem_shared>>
    tpu.enqueue_indirect_dma source(%dma_start3A_852 : memref<1000x1000xf32, #tpu.memory_space<vmem_shared>>) target(%dma_start3A_847 : memref<32x1000xf32, #tpu.memory_space<vmem>>) offsets(%dma_start3A_849 : memref<32xi32, #tpu.memory_space<vmem>>) semaphore(%arg8 : memref<!tpu.dma_semaphore, #tpu.memory_space<semaphore_mem>>)
    %add3A_853 = arith.constant 544 : i32
    %add3A_854 = arith.addi %mul3A_2, %add3A_853 : i32
    %dma_start3A_855 = arith.constant 1 : i32
    %dma_start3A_856 = arith.constant 0 : i32
    %dma_start3A_857 = arith.constant 0 : i32
    %dma_start3A_858 = tpu.memref_slice %arg6[%dma_start3A_855, %dma_start3A_856, %dma_start3A_857] : memref<2x32x1000xf32, #tpu.memory_space<vmem>> -> memref<1x32x1000xf32, #tpu.memory_space<vmem>>
    %dma_start3A_859 = tpu.memref_squeeze %dma_start3A_858 : memref<1x32x1000xf32, #tpu.memory_space<vmem>> -> memref<32x1000xf32, #tpu.memory_space<vmem>>
    %dma_start3A_860 = arith.constant 0 : i32
    %dma_start3A_861 = tpu.memref_slice %arg4[%add3A_854, %dma_start3A_860] : memref<20480x1000xf32, #tpu.memory_space<hbm>> -> memref<32x1000xf32, #tpu.memory_space<hbm>>
    %dma_start3A_862 = arith.constant 0 : i32
    %dma_start3A_863 = tpu.memref_slice %arg4[%add3A_854, %dma_start3A_862] : memref<20480x1000xf32, #tpu.memory_space<hbm>> -> memref<32x1000xf32, #tpu.memory_space<hbm>>
    %dma_start3A_864 = arith.constant 0 : i32
    %dma_start3A_865 = arith.constant 0 : i32
    %dma_start3A_866 = tpu.memref_slice %arg6[%dma_start3A_855, %dma_start3A_864, %dma_start3A_865] : memref<2x32x1000xf32, #tpu.memory_space<vmem>> -> memref<1x32x1000xf32, #tpu.memory_space<vmem>>
    %dma_start3A_867 = tpu.memref_squeeze %dma_start3A_866 : memref<1x32x1000xf32, #tpu.memory_space<vmem>> -> memref<32x1000xf32, #tpu.memory_space<vmem>>
    tpu.enqueue_dma source(%dma_start3A_867 : memref<32x1000xf32, #tpu.memory_space<vmem>>) target(%dma_start3A_863 : memref<32x1000xf32, #tpu.memory_space<hbm>>) target_semaphore(%arg11 : memref<!tpu.dma_semaphore, #tpu.memory_space<semaphore_mem>>)
    %dma_wait3A_868 = arith.constant 0 : i32
    %dma_wait3A_869 = arith.constant 0 : i32
    %dma_wait3A_870 = arith.constant 0 : i32
    %dma_wait3A_871 = tpu.memref_slice %arg6[%dma_wait3A_868, %dma_wait3A_869, %dma_wait3A_870] : memref<2x32x1000xf32, #tpu.memory_space<vmem>> -> memref<1x32x1000xf32, #tpu.memory_space<vmem>>
    %dma_wait3A_872 = tpu.memref_squeeze %dma_wait3A_871 : memref<1x32x1000xf32, #tpu.memory_space<vmem>> -> memref<32x1000xf32, #tpu.memory_space<vmem>>
    %dma_wait3A_873 = arith.constant 576 : i32
    %dma_wait3A_874 = tpu.memref_slice %arg5[%dma_wait3A_873] : memref<640xi32, #tpu.memory_space<vmem>> -> memref<32xi32, #tpu.memory_space<vmem>>
    %dma_wait3A_875 = arith.constant 0 : i32
    %dma_wait3A_876 = arith.constant 0 : i32
    %dma_wait3A_877 = tpu.memref_slice %arg7[%dma_wait3A_875, %dma_wait3A_876] : memref<1000x1000xf32, #tpu.memory_space<vmem_shared>> -> memref<1000x1000xf32, #tpu.memory_space<vmem_shared>>
    tpu.wait_indirect_dma semaphore(%arg8 : memref<!tpu.dma_semaphore, #tpu.memory_space<semaphore_mem>>) src(%dma_wait3A_877 : memref<1000x1000xf32, #tpu.memory_space<vmem_shared>>) dst(%dma_wait3A_872 : memref<32x1000xf32, #tpu.memory_space<vmem>>)
    %dma_wait3A_878 = arith.constant 1 : i32
    %dma_wait3A_879 = arith.constant 0 : i32
    %dma_wait3A_880 = arith.constant 0 : i32
    %dma_wait3A_881 = tpu.memref_slice %arg6[%dma_wait3A_878, %dma_wait3A_879, %dma_wait3A_880] : memref<2x32x1000xf32, #tpu.memory_space<vmem>> -> memref<1x32x1000xf32, #tpu.memory_space<vmem>>
    %dma_wait3A_882 = tpu.memref_squeeze %dma_wait3A_881 : memref<1x32x1000xf32, #tpu.memory_space<vmem>> -> memref<32x1000xf32, #tpu.memory_space<vmem>>
    %dma_wait3A_883 = arith.constant 0 : i32
    %dma_wait3A_884 = tpu.memref_slice %arg4[%add3A_854, %dma_wait3A_883] : memref<20480x1000xf32, #tpu.memory_space<hbm>> -> memref<32x1000xf32, #tpu.memory_space<hbm>>
    %dma_wait3A_885 = arith.constant 0 : i32
    %dma_wait3A_886 = tpu.memref_slice %arg4[%add3A_854, %dma_wait3A_885] : memref<20480x1000xf32, #tpu.memory_space<hbm>> -> memref<32x1000xf32, #tpu.memory_space<hbm>>
    %dma_wait3A_887 = arith.constant 0 : i32
    %dma_wait3A_888 = arith.constant 0 : i32
    %dma_wait3A_889 = tpu.memref_slice %arg6[%dma_wait3A_878, %dma_wait3A_887, %dma_wait3A_888] : memref<2x32x1000xf32, #tpu.memory_space<vmem>> -> memref<1x32x1000xf32, #tpu.memory_space<vmem>>
    %dma_wait3A_890 = tpu.memref_squeeze %dma_wait3A_889 : memref<1x32x1000xf32, #tpu.memory_space<vmem>> -> memref<32x1000xf32, #tpu.memory_space<vmem>>
    tpu.wait_dma2 semaphore(%arg11 : memref<!tpu.dma_semaphore, #tpu.memory_space<semaphore_mem>>) src(%dma_wait3A_890 : memref<32x1000xf32, #tpu.memory_space<vmem>>) dst(%dma_wait3A_886 : memref<32x1000xf32, #tpu.memory_space<hbm>>)
    %dma_start3A_891 = arith.constant 1 : i32
    %dma_start3A_892 = arith.constant 0 : i32
    %dma_start3A_893 = arith.constant 0 : i32
    %dma_start3A_894 = tpu.memref_slice %arg6[%dma_start3A_891, %dma_start3A_892, %dma_start3A_893] : memref<2x32x1000xf32, #tpu.memory_space<vmem>> -> memref<1x32x1000xf32, #tpu.memory_space<vmem>>
    %dma_start3A_895 = tpu.memref_squeeze %dma_start3A_894 : memref<1x32x1000xf32, #tpu.memory_space<vmem>> -> memref<32x1000xf32, #tpu.memory_space<vmem>>
    %dma_start3A_896 = arith.constant 608 : i32
    %dma_start3A_897 = tpu.memref_slice %arg5[%dma_start3A_896] : memref<640xi32, #tpu.memory_space<vmem>> -> memref<32xi32, #tpu.memory_space<vmem>>
    %dma_start3A_898 = arith.constant 0 : i32
    %dma_start3A_899 = arith.constant 0 : i32
    %dma_start3A_900 = tpu.memref_slice %arg7[%dma_start3A_898, %dma_start3A_899] : memref<1000x1000xf32, #tpu.memory_space<vmem_shared>> -> memref<1000x1000xf32, #tpu.memory_space<vmem_shared>>
    tpu.enqueue_indirect_dma source(%dma_start3A_900 : memref<1000x1000xf32, #tpu.memory_space<vmem_shared>>) target(%dma_start3A_895 : memref<32x1000xf32, #tpu.memory_space<vmem>>) offsets(%dma_start3A_897 : memref<32xi32, #tpu.memory_space<vmem>>) semaphore(%arg9 : memref<!tpu.dma_semaphore, #tpu.memory_space<semaphore_mem>>)
    %add3A_901 = arith.constant 576 : i32
    %add3A_902 = arith.addi %mul3A_2, %add3A_901 : i32
    %dma_start3A_903 = arith.constant 0 : i32
    %dma_start3A_904 = arith.constant 0 : i32
    %dma_start3A_905 = arith.constant 0 : i32
    %dma_start3A_906 = tpu.memref_slice %arg6[%dma_start3A_903, %dma_start3A_904, %dma_start3A_905] : memref<2x32x1000xf32, #tpu.memory_space<vmem>> -> memref<1x32x1000xf32, #tpu.memory_space<vmem>>
    %dma_start3A_907 = tpu.memref_squeeze %dma_start3A_906 : memref<1x32x1000xf32, #tpu.memory_space<vmem>> -> memref<32x1000xf32, #tpu.memory_space<vmem>>
    %dma_start3A_908 = arith.constant 0 : i32
    %dma_start3A_909 = tpu.memref_slice %arg4[%add3A_902, %dma_start3A_908] : memref<20480x1000xf32, #tpu.memory_space<hbm>> -> memref<32x1000xf32, #tpu.memory_space<hbm>>
    %dma_start3A_910 = arith.constant 0 : i32
    %dma_start3A_911 = tpu.memref_slice %arg4[%add3A_902, %dma_start3A_910] : memref<20480x1000xf32, #tpu.memory_space<hbm>> -> memref<32x1000xf32, #tpu.memory_space<hbm>>
    %dma_start3A_912 = arith.constant 0 : i32
    %dma_start3A_913 = arith.constant 0 : i32
    %dma_start3A_914 = tpu.memref_slice %arg6[%dma_start3A_903, %dma_start3A_912, %dma_start3A_913] : memref<2x32x1000xf32, #tpu.memory_space<vmem>> -> memref<1x32x1000xf32, #tpu.memory_space<vmem>>
    %dma_start3A_915 = tpu.memref_squeeze %dma_start3A_914 : memref<1x32x1000xf32, #tpu.memory_space<vmem>> -> memref<32x1000xf32, #tpu.memory_space<vmem>>
    tpu.enqueue_dma source(%dma_start3A_915 : memref<32x1000xf32, #tpu.memory_space<vmem>>) target(%dma_start3A_911 : memref<32x1000xf32, #tpu.memory_space<hbm>>) target_semaphore(%arg10 : memref<!tpu.dma_semaphore, #tpu.memory_space<semaphore_mem>>)
    %dma_wait3A_916 = arith.constant 1 : i32
    %dma_wait3A_917 = arith.constant 0 : i32
    %dma_wait3A_918 = arith.constant 0 : i32
    %dma_wait3A_919 = tpu.memref_slice %arg6[%dma_wait3A_916, %dma_wait3A_917, %dma_wait3A_918] : memref<2x32x1000xf32, #tpu.memory_space<vmem>> -> memref<1x32x1000xf32, #tpu.memory_space<vmem>>
    %dma_wait3A_920 = tpu.memref_squeeze %dma_wait3A_919 : memref<1x32x1000xf32, #tpu.memory_space<vmem>> -> memref<32x1000xf32, #tpu.memory_space<vmem>>
    %dma_wait3A_921 = arith.constant 608 : i32
    %dma_wait3A_922 = tpu.memref_slice %arg5[%dma_wait3A_921] : memref<640xi32, #tpu.memory_space<vmem>> -> memref<32xi32, #tpu.memory_space<vmem>>
    %dma_wait3A_923 = arith.constant 0 : i32
    %dma_wait3A_924 = arith.constant 0 : i32
    %dma_wait3A_925 = tpu.memref_slice %arg7[%dma_wait3A_923, %dma_wait3A_924] : memref<1000x1000xf32, #tpu.memory_space<vmem_shared>> -> memref<1000x1000xf32, #tpu.memory_space<vmem_shared>>
    tpu.wait_indirect_dma semaphore(%arg9 : memref<!tpu.dma_semaphore, #tpu.memory_space<semaphore_mem>>) src(%dma_wait3A_925 : memref<1000x1000xf32, #tpu.memory_space<vmem_shared>>) dst(%dma_wait3A_920 : memref<32x1000xf32, #tpu.memory_space<vmem>>)
    %add3A_926 = arith.constant 608 : i32
    %add3A_927 = arith.addi %mul3A_2, %add3A_926 : i32
    %dma_start3A_928 = arith.constant 1 : i32
    %dma_start3A_929 = arith.constant 0 : i32
    %dma_start3A_930 = arith.constant 0 : i32
    %dma_start3A_931 = tpu.memref_slice %arg6[%dma_start3A_928, %dma_start3A_929, %dma_start3A_930] : memref<2x32x1000xf32, #tpu.memory_space<vmem>> -> memref<1x32x1000xf32, #tpu.memory_space<vmem>>
    %dma_start3A_932 = tpu.memref_squeeze %dma_start3A_931 : memref<1x32x1000xf32, #tpu.memory_space<vmem>> -> memref<32x1000xf32, #tpu.memory_space<vmem>>
    %dma_start3A_933 = arith.constant 0 : i32
    %dma_start3A_934 = tpu.memref_slice %arg4[%add3A_927, %dma_start3A_933] : memref<20480x1000xf32, #tpu.memory_space<hbm>> -> memref<32x1000xf32, #tpu.memory_space<hbm>>
    %dma_start3A_935 = arith.constant 0 : i32
    %dma_start3A_936 = tpu.memref_slice %arg4[%add3A_927, %dma_start3A_935] : memref<20480x1000xf32, #tpu.memory_space<hbm>> -> memref<32x1000xf32, #tpu.memory_space<hbm>>
    %dma_start3A_937 = arith.constant 0 : i32
    %dma_start3A_938 = arith.constant 0 : i32
    %dma_start3A_939 = tpu.memref_slice %arg6[%dma_start3A_928, %dma_start3A_937, %dma_start3A_938] : memref<2x32x1000xf32, #tpu.memory_space<vmem>> -> memref<1x32x1000xf32, #tpu.memory_space<vmem>>
    %dma_start3A_940 = tpu.memref_squeeze %dma_start3A_939 : memref<1x32x1000xf32, #tpu.memory_space<vmem>> -> memref<32x1000xf32, #tpu.memory_space<vmem>>
    tpu.enqueue_dma source(%dma_start3A_940 : memref<32x1000xf32, #tpu.memory_space<vmem>>) target(%dma_start3A_936 : memref<32x1000xf32, #tpu.memory_space<hbm>>) target_semaphore(%arg11 : memref<!tpu.dma_semaphore, #tpu.memory_space<semaphore_mem>>)
    %dma_wait3A_941 = arith.constant 0 : i32
    %dma_wait3A_942 = arith.constant 0 : i32
    %dma_wait3A_943 = arith.constant 0 : i32
    %dma_wait3A_944 = tpu.memref_slice %arg6[%dma_wait3A_941, %dma_wait3A_942, %dma_wait3A_943] : memref<2x32x1000xf32, #tpu.memory_space<vmem>> -> memref<1x32x1000xf32, #tpu.memory_space<vmem>>
    %dma_wait3A_945 = tpu.memref_squeeze %dma_wait3A_944 : memref<1x32x1000xf32, #tpu.memory_space<vmem>> -> memref<32x1000xf32, #tpu.memory_space<vmem>>
    %dma_wait3A_946 = arith.constant 0 : i32
    %dma_wait3A_947 = tpu.memref_slice %arg4[%add3A_902, %dma_wait3A_946] : memref<20480x1000xf32, #tpu.memory_space<hbm>> -> memref<32x1000xf32, #tpu.memory_space<hbm>>
    %dma_wait3A_948 = arith.constant 0 : i32
    %dma_wait3A_949 = tpu.memref_slice %arg4[%add3A_902, %dma_wait3A_948] : memref<20480x1000xf32, #tpu.memory_space<hbm>> -> memref<32x1000xf32, #tpu.memory_space<hbm>>
    %dma_wait3A_950 = arith.constant 0 : i32
    %dma_wait3A_951 = arith.constant 0 : i32
    %dma_wait3A_952 = tpu.memref_slice %arg6[%dma_wait3A_941, %dma_wait3A_950, %dma_wait3A_951] : memref<2x32x1000xf32, #tpu.memory_space<vmem>> -> memref<1x32x1000xf32, #tpu.memory_space<vmem>>
    %dma_wait3A_953 = tpu.memref_squeeze %dma_wait3A_952 : memref<1x32x1000xf32, #tpu.memory_space<vmem>> -> memref<32x1000xf32, #tpu.memory_space<vmem>>
    tpu.wait_dma2 semaphore(%arg10 : memref<!tpu.dma_semaphore, #tpu.memory_space<semaphore_mem>>) src(%dma_wait3A_953 : memref<32x1000xf32, #tpu.memory_space<vmem>>) dst(%dma_wait3A_949 : memref<32x1000xf32, #tpu.memory_space<hbm>>)
    %dma_wait3A_954 = arith.constant 1 : i32
    %dma_wait3A_955 = arith.constant 0 : i32
    %dma_wait3A_956 = arith.constant 0 : i32
    %dma_wait3A_957 = tpu.memref_slice %arg6[%dma_wait3A_954, %dma_wait3A_955, %dma_wait3A_956] : memref<2x32x1000xf32, #tpu.memory_space<vmem>> -> memref<1x32x1000xf32, #tpu.memory_space<vmem>>
    %dma_wait3A_958 = tpu.memref_squeeze %dma_wait3A_957 : memref<1x32x1000xf32, #tpu.memory_space<vmem>> -> memref<32x1000xf32, #tpu.memory_space<vmem>>
    %dma_wait3A_959 = arith.constant 0 : i32
    %dma_wait3A_960 = tpu.memref_slice %arg4[%add3A_927, %dma_wait3A_959] : memref<20480x1000xf32, #tpu.memory_space<hbm>> -> memref<32x1000xf32, #tpu.memory_space<hbm>>
    %dma_wait3A_961 = arith.constant 0 : i32
    %dma_wait3A_962 = tpu.memref_slice %arg4[%add3A_927, %dma_wait3A_961] : memref<20480x1000xf32, #tpu.memory_space<hbm>> -> memref<32x1000xf32, #tpu.memory_space<hbm>>
    %dma_wait3A_963 = arith.constant 0 : i32
    %dma_wait3A_964 = arith.constant 0 : i32
    %dma_wait3A_965 = tpu.memref_slice %arg6[%dma_wait3A_954, %dma_wait3A_963, %dma_wait3A_964] : memref<2x32x1000xf32, #tpu.memory_space<vmem>> -> memref<1x32x1000xf32, #tpu.memory_space<vmem>>
    %dma_wait3A_966 = tpu.memref_squeeze %dma_wait3A_965 : memref<1x32x1000xf32, #tpu.memory_space<vmem>> -> memref<32x1000xf32, #tpu.memory_space<vmem>>
    tpu.wait_dma2 semaphore(%arg11 : memref<!tpu.dma_semaphore, #tpu.memory_space<semaphore_mem>>) src(%dma_wait3A_966 : memref<32x1000xf32, #tpu.memory_space<vmem>>) dst(%dma_wait3A_962 : memref<32x1000xf32, #tpu.memory_space<hbm>>)
    return
  }
}

</mosaic_0001>

<sc_bundles>
// kernel: kernel.3.cloned.1.call-start
scs
__scs_entry_jumppad:
0x0: {  	(pc) =	sbr.rel $0x88, $3  }
0x1: {  	(tag) =	ssettag $0x0;
	lr =	simm.s32 $0x1  }
0x2: {  	[smem:$0x3F9F] =	sst lr;
	_ =	strace $0xD0000000  }
0x3: {  	_ = 	snop  }
0x4: {  	_ = 	snop  }
0x5: {  	_ = 	snop  }
0x6: {  	_ = 	snop  }
0x7: {  	_ = 	snop  }
__scs_overlays_trampoline_lowered:
0x8: {  	[smem:$0x3FAE] =	sst s0  }
0x9: {  	[smem:$0x3FAF] =	sst s1  }
0xa: {  	[smem:$0x3FB0] =	sst s2  }
0xb: {  	[smem:$0x3FB1] =	sst s3  }
0xc: {  	[smem:$0x3FB2] =	sst s4  }
0xd: {  	[smem:$0x3FB3] =	sst s5  }
0xe: {  	[smem:$0x3FB4] =	sst s6  }
0xf: {  	[smem:$0x3FB5] =	sst s7  }
0x10: {  	[smem:$0x3FB6] =	sst s8  }
0x11: {  	[smem:$0x3FB7] =	sst s9;
	s0 =	simm.s32 @!p0 $0x0  }
0x12: {  	s1 =	sld [smem:$0x3F9D];
	s0 =	simm.s32 @p0 $0x1  }
0x13: {  	[smem:$0x3FB8] =	sst s0;
	s0 =	simm.s32 @!p1 $0x0  }
0x14: {  	s2 =	sld [smem:$0x3F9C];
	s0 =	simm.s32 @p1 $0x1  }
0x15: {  	[smem:$0x3FB9] =	sst s0;
	s0 =	simm.s32 @!p2 $0x0  }
0x16: {  	s3 =	sld [smem:$0x3FDB];
	s0 =	simm.s32 @p2 $0x1  }
0x17: {  	s4 =	simm.s32 $0x1BF5;
	[smem:$0x3FBB] =	sst s0  }
0x18: {  	s0 =	sld [smem:$0x3F9E];
	_ =	swait.ge [sflag:s4], $0x0  }
0x19: {  	s7 =	sld [smem:$0x3F9F]  }
0x1a: {  	s8 =	sadd.s32 $0xFFFFE003, lr  }
0x1b: {  	s9 =	sadd.s32 $0xFFFFFEF7, lr;
	s5 =	simm.s32 $0xFFFFFFFF;
	p2 =	slt.u32 s8, $0xFFFFF086  }
0x1c: {  	p1 =	slt.u32 s9, $0xF7A;
	s5 =	simm.s32 @!p2 $0x0  }
0x1d: {  	s5 =	simm.s32 @p1 $0x1;
	p0 =	seq.s32 s7, s2  }
0x1e: {  	s7 =	smul.u32 @!p0 $0xF7A, s2;
	p2 =	seq.s32 @!p0 s5, $0x0  }
0x1f: {  	s9 =	smul.u32 $0xF7A, s1;
	s8 =	simm.s32 @!p0 $0x1BF5;
	p2 =	por !p2, p0  }
0x20: {  	[sflag:s8] =	ssyncset.s32 @!p0 $0xFFFFF086;
	s6 =	sadd.s32 @!p0 s3, s7;
	s7 =	simm.s32 @!p0 $0x108  }
0x21: {  	s3 =	sadd.s32 s3, s9;
	s6 =	sadd.s32 @!p0 $0x88, s6;
	s7 =	simm.s32 @p2 $0x1082  }
0x22: {  	[simem:s7], [sflag:s8] =	dma.local @!p0 [hbm:s6], $0xF7A  }
0x23: {  	s9 =	sor.u32 $0xD0000000, s2;
	s6 =	simm.s32 $0x108;
	_ =	swait.ge @!p0 [sflag:s8], $0x0  }
0x24: {  	s3 =	sadd.s32 $0x88, s3;
	s6 =	simm.s32 @!p1 $0x1082;
	[sflag:s4] =	ssyncset.s32 $0xFFFFF086  }
0x25: {  	[simem:s6], [sflag:s4] =	dma.local [hbm:s3], $0xF7A  }
0x26: {  	[smem:$0x3F9F] =	sst s1;
	(tag) =	ssettag s2;
	_ =	strace s9  }
0x27: {  	s1 =	sld [smem:$0x3FAF]  }
0x28: {  	s2 =	sld [smem:$0x3FB0]  }
0x29: {  	s4 =	sld [smem:$0x3FB2]  }
0x2a: {  	p0 =	seq.s32 s5, $0x0;
	s5 =	sld [smem:$0x3FB3]  }
0x2b: {  	s6 =	sld [smem:$0x3FB4]  }
0x2c: {  	s7 =	sld [smem:$0x3FB5]  }
0x2d: {  	s3 =	simm.s32 $0x108;
	s8 =	sld [smem:$0x3FB6]  }
0x2e: {  	s3 =	simm.s32 @!p0 $0x1082;
	s9 =	sld [smem:$0x3FB7]  }
0x2f: {  	lr =	sadd.s32 s0, s3;
	s0 =	sld [smem:$0x3FAE]  }
0x30: {  	s3 =	sld [smem:$0x3FB1]  }
0x31: {  	[smem:$0x3FBA] =	sst s10  }
0x32: {  	s10 =	sld [smem:$0x3FB8];
	_ =	sdelay $0x3  }
0x33: {  	p0 =	seq.s32 s10, $0x1;
	s10 =	sld [smem:$0x3FBA];
	_ =	sdelay $0x3  }
0x34: {  	[smem:$0x3FBA] =	sst s10  }
0x35: {  	s10 =	sld [smem:$0x3FB9];
	_ =	sdelay $0x3  }
0x36: {  	p1 =	seq.s32 s10, $0x1;
	s10 =	sld [smem:$0x3FBA];
	_ =	sdelay $0x3  }
0x37: {  	[smem:$0x3FBA] =	sst s10  }
0x38: {  	s10 =	sld [smem:$0x3FBB]  }
0x39: {  	_ = 	snop;
	(pc) =	sbr.ind lr, $3  }
0x3a: {  	_ = 	snop  }
0x3b: {  	_ = 	snop  }
0x3c: {  	p2 =	seq.s32 s10, $0x1;
	s10 =	sld [smem:$0x3FBA]  }
0x3d: {  	_ =	shalt  }
0x3e: {  	_ =	shalt  }
0x3f: {  	_ =	shalt  }
0x40: {  	_ =	shalt  }
0x41: {  	_ =	shalt  }
0x42: {  	_ =	shalt  }
0x43: {  	_ =	shalt  }
0x44: {  	_ =	shalt  }
0x45: {  	_ =	shalt  }
0x46: {  	_ =	shalt  }
0x47: {  	_ =	shalt  }
0x48: {  	_ =	shalt  }
0x49: {  	_ =	shalt  }
0x4a: {  	_ =	shalt  }
0x4b: {  	_ =	shalt  }
0x4c: {  	_ =	shalt  }
0x4d: {  	_ =	shalt  }
0x4e: {  	_ =	shalt  }
0x4f: {  	_ =	shalt  }
0x50: {  	_ =	shalt  }
0x51: {  	_ =	shalt  }
0x52: {  	_ =	shalt  }
0x53: {  	_ =	shalt  }
0x54: {  	_ =	shalt  }
0x55: {  	_ =	shalt  }
0x56: {  	_ =	shalt  }
0x57: {  	_ =	shalt  }
0x58: {  	_ =	shalt  }
0x59: {  	_ =	shalt  }
0x5a: {  	_ =	shalt  }
0x5b: {  	_ =	shalt  }
0x5c: {  	_ =	shalt  }
0x5d: {  	_ =	shalt  }
0x5e: {  	_ =	shalt  }
0x5f: {  	_ =	shalt  }
0x60: {  	_ =	shalt  }
0x61: {  	_ =	shalt  }
0x62: {  	_ =	shalt  }
0x63: {  	_ =	shalt  }
0x64: {  	_ =	shalt  }
0x65: {  	_ =	shalt  }
0x66: {  	_ =	shalt  }
0x67: {  	_ =	shalt  }
0x68: {  	_ =	shalt  }
0x69: {  	_ =	shalt  }
0x6a: {  	_ =	shalt  }
0x6b: {  	_ =	shalt  }
0x6c: {  	_ =	shalt  }
0x6d: {  	_ =	shalt  }
0x6e: {  	_ =	shalt  }
0x6f: {  	_ =	shalt  }
0x70: {  	_ =	shalt  }
0x71: {  	_ =	shalt  }
0x72: {  	_ =	shalt  }
0x73: {  	_ =	shalt  }
0x74: {  	_ =	shalt  }
0x75: {  	_ =	shalt  }
0x76: {  	_ =	shalt  }
0x77: {  	_ =	shalt  }
0x78: {  	_ =	shalt  }
0x79: {  	_ =	shalt  }
0x7a: {  	_ =	shalt  }
0x7b: {  	_ =	shalt  }
0x7c: {  	_ =	shalt  }
0x7d: {  	_ =	shalt  }
0x7e: {  	_ =	shalt  }
0x7f: {  	_ =	shalt  }
0x80: {  	_ =	shalt  }
0x81: {  	_ =	shalt  }
0x82: {  	_ =	shalt  }
0x83: {  	_ =	shalt  }
0x84: {  	_ =	shalt  }
0x85: {  	_ =	shalt  }
0x86: {  	_ =	shalt  }
0x87: {  	_ =	shalt  }
.Lfunc_end0:
.L_simem_size_0:
called_computation.1_lowered:
.L_overlay_start_0:
0x88: {  	s2 =	sld [smem:$0x3FD9]  }
0x89: {  	s3 =	sld [smem:$0x3FFE];
	_ =	sdelay $0x1  }
0x8a: {  	s1 =	srdreg.scid  }
0x8b: {  	s0 =	sand.u32 $0x1, s1  }
0x8c: {  	s17 =	sshll.u32 s0, $0xA;
	s2 =	sadd.s32 s3, s2  }
0x8d: {  	s2 =	sadd.s32 s2, s17  }
0x8e: {  	[smem:$0x3FC6] =	sst s2  }
0x8f: {  	_ = 	snop  }
0x90: {  	s2 =	sld [smem:$0x3FD0];
	(tm) =	ssettm $0x1  }
0x91: {  	s18 =	sld [smem:$0x3FFB];
	_ =	sdelay $0x3  }
0x92: {  	_ =	strace s18  }
0x93: {  	s3 =	sld [smem:$0x3FFC];
	_ =	sdelay $0x3  }
0x94: {  	_ =	strace s3  }
0x95: {  	s3 =	sld [smem:$0x3FFD];
	_ =	sdelay $0x3  }
0x96: {  	_ =	strace s3  }
0x97: {  	_ =	strace $0x8FFFFFFF  }
0x98: {  	s19 =	sld [smem:$0x3FDB];
	_ =	sdelay $0x1  }
0x99: {  	s4 =	simm.s32 $_scs_section_size  }
0x9a: {  	s5 =	simm.s32 $_size__tile_overlayer_lowered;
	s6 =	simm.s32 $_tile_overlayer_lowered  }
0x9b: {  	s22 =	simm.s32 $0x1BFF;
	s21 =	sshll.u32 s6, $0x1;
	s3 =	sadd.s32 s4, s19  }
0x9c: {  	s7 =	simm.s32 $0x0;
	s20 =	sshll.u32 s5, $0x1;
	s5 =	sadd.s32 s21, s3  }
0x9d: {  	[timem:s7], [sflag:s22] =	dma.local [hbm:s5], s20  }
0x9e: {  	_ =	swait.ge [sflag:s22], s20  }
0x9f: {  	s4 =	ssub.s32 $0x0, s20;
	[sflag:s22] =	ssyncset.done $0x0  }
0xa0: {  	[sflag:s22] =	ssyncadd.s32 s4;
	_ =	sdelay $0x1  }
0xa1: {  	s23 =	simm.s32 $0x1B8B  }
0xa2: {  	_ =	swait.ge [sflag:s23], $0x1  }
0xa3: {  	[sflag:s23] =	ssyncset.done $0x0  }
0xa4: {  	s25 =	simm.s32 $0x1B8E;
	s24 =	sld [smem:$0x3FFE];
	[sflag:s23] =	ssyncadd.s32 $0xFFFFFFFF  }
0xa5: {  	s26 =	simm.s32 $execute0_lowered;
	[smem:$0x3FD2] =	sst s25  }
0xa6: {  	s5 =	sshll.u32 s26, $0x1;
	_ =	strace $0x80000046;
	[dreg:$0x1] =	wrdreg $0xFFFFFFFF  }
0xa7: {  	s28 =	simm.s32 $_size_execute0_lowered;
	s3 =	sadd.s32 s3, s5;
	[dreg:$0x0] =	wrdreg $0x0  }
0xa8: {  	s5 =	sshll.u32 s28, $0x1;
	[dreg:$0x2] =	wrdreg s3  }
0xa9: {  	[dreg:$0x3] =	wrdreg s5  }
0xaa: {  	[dreg:$0x4] =	wrdreg $0xC0  }
0xab: {  	_ =	task [dreg:s7], $0x5FFFF  }
0xac: {  	[dreg:$0x1] =	wrdreg $0xFFFFFFFF  }
0xad: {  	[dreg:$0x0] =	wrdreg $0x60  }
0xae: {  	[dreg:$0x2] =	wrdreg s24  }
0xaf: {  	[dreg:$0x3] =	wrdreg s2  }
0xb0: {  	[dreg:$0x4] =	wrdreg $0xFC800  }
0xb1: {  	[dreg:$0x5] =	wrdreg $0x9  }
0xb2: {  	_ =	task.clear_ibuf [dreg:s7], $0x6FFFF;
	_ =	strace $0x90000046  }
0xb3: {  	s29 =	simm.s32 $0x9;
	_ =	strace $0x80000048  }
0xb4: {  	_ =	swait.ge [sflag:s29], $0x1  }
0xb5: {  	[sflag:s29] =	ssyncadd.s32 $0xFFFFFFFF  }
0xb6: {  	_ =	strace $0x90000048  }
0xb7: {  	_ =	sfence  }
0xb8: {  	s30 =	sld [smem:$0x0];
	_ =	sdelay $0x2  }
0xb9: {  	s31 =	sshll.u32 s1, $0xD;
	s1 =	sshrl.u32 s1, $0x2  }
0xba: {  	s3 =	sand.u32 $0x4000, s31;
	s1 =	sadd.s32 s1, s30  }
0xbb: {  	s0 =	sor.u32 s3, s0;
	s1 =	sshll.u32 s1, $0x11  }
0xbc: {  	s0 =	sor.u32 s1, s0  }
0xbd: {  	s0 =	sadd.s32 $0x8F2B, s0  }
0xbe: {  	[sflag:s0] =	ssyncadd.remote.s32 $0x1  }
0xbf: {  	_ =	sfence.sel $0xFFFF  }
0xc0: {  	[dreg:$0x0] =	wrdreg $0xFFFFFFFF;
	(pc) =	sbr.abs _section_cstart, $3  }
0xc1: {  	[dreg:$0x1] =	wrdreg $0xFFFFFFFF  }
0xc2: {  	_ =	task.clear_ibuf [dreg:s7], $0x2FFFF;
	_ =	strace $0x9FFFFFFF  }
0xc3: {  	(tm) =	ssettm $0x7FFFFFFF  }
tec
execute0_lowered:
.L_overlay_start_1:
0x0: {  	(tag) =	ssettag $0x1  }
0x1: {  	s5 =	rddreg [dreg:$0x0]  }
0x2: {  	s6 =	rddreg [dreg:$0x1]  }
0x3: {  	s2 =	rddreg [dreg:$0x2];
	s0 =	stileid.u32  }
0x4: {  	s1 =	srdreg.scid;
	s3 =	simm.s32 $0x0;
	s4 =	smul.u32 $0xF618, s0  }
0x5: {  	s31 =	sand.u32 $0x1, s1;
	s7 =	sshll.u32 s0, $0x1;
	[smem:$0x7FF] =	sst s3  }
0x6: {  	p0 =	seq.s32 s0, $0xF;
	s7 =	sor.u32 s31, s7;
	_ =	strace $0x80000047  }
0x7: {  	s8 =	sshrl.u32 s4, $0x3;
	s9 =	smul.u32 $0x50, s7;
	s4 =	sadd.s32 s4, s2  }
0x8: {  	s10 =	smul.u32 $0x9C400, s7;
	s8 =	sadd.s32 s8, s5;
	s4 =	sshrl.u32 @!p0 s4, $0x3  }
0x9: {  	s7 =	smul.u32 $0x13880, s7;
	s8 =	sadd.s32 $0x1200, s8;
	[dreg:$0x1b] =	wrdreg s4  }
0xa: {  	s9 =	sadd.s32 s9, s5;
	s5 =	sadd.s32 $0x1DF6D, s5;
	[dreg:$0x4] =	wrdreg s8  }
0xb: {  	s17 =	sadd.s32 s6, s7;
	[dreg:$0x5] =	wrdreg s5  }
0xc: {  	s16 =	sshrl.u32 s10, $0x3;
	s15 =	sadd.s32 $0x800, s9;
	[dreg:$0x7] =	wrdreg s17  }
0xd: {  	s6 =	sadd.s32 s6, s16;
	s16 =	simm.s32 $0x40;
	[dreg:$0x6] =	wrdreg s15  }
0xe: {  	s17 =	simm.s32 $0x60;
	[dreg:$0x1d] =	wrdreg s16  }
0xf: {  	s18 =	sadd.s32 $0xFA0, s6;
	[dreg:$0x1e] =	wrdreg s17  }
0x10: {  	s19 =	sadd.s32 $0x1F40, s6;
	[dreg:$0x8] =	wrdreg s18  }
0x11: {  	s20 =	sadd.s32 $0x2EE0, s6;
	[dreg:$0x9] =	wrdreg s19  }
0x12: {  	s21 =	sadd.s32 $0x3E80, s6;
	[dreg:$0xa] =	wrdreg s20  }
0x13: {  	s22 =	sadd.s32 $0x4E20, s6;
	[dreg:$0xb] =	wrdreg s21  }
0x14: {  	s23 =	sadd.s32 $0x5DC0, s6;
	[dreg:$0xc] =	wrdreg s22  }
0x15: {  	s24 =	sadd.s32 $0x6D60, s6;
	[dreg:$0xd] =	wrdreg s23  }
0x16: {  	s25 =	sadd.s32 $0x7D00, s6;
	[dreg:$0xe] =	wrdreg s24  }
0x17: {  	s26 =	sadd.s32 $0x8CA0, s6;
	[dreg:$0xf] =	wrdreg s25  }
0x18: {  	s1 =	sadd.s32 $0x9C40, s6;
	[dreg:$0x10] =	wrdreg s26  }
0x19: {  	s7 =	sadd.s32 $0xABE0, s6;
	[dreg:$0x11] =	wrdreg s1  }
0x1a: {  	s8 =	sadd.s32 $0xBB80, s6;
	[dreg:$0x12] =	wrdreg s7  }
0x1b: {  	s9 =	sadd.s32 $0xCB20, s6;
	[dreg:$0x13] =	wrdreg s8  }
0x1c: {  	s10 =	sadd.s32 $0xDAC0, s6;
	[dreg:$0x14] =	wrdreg s9  }
0x1d: {  	s11 =	sadd.s32 $0xEA60, s6;
	[dreg:$0x15] =	wrdreg s10  }
0x1e: {  	s12 =	sadd.s32 $0xFA00, s6;
	[dreg:$0x16] =	wrdreg s11  }
0x1f: {  	s13 =	sadd.s32 $0x109A0, s6;
	[dreg:$0x17] =	wrdreg s12  }
0x20: {  	s14 =	sadd.s32 $0x11940, s6;
	[dreg:$0x18] =	wrdreg s13  }
0x21: {  	s15 =	sadd.s32 $0x128E0, s6;
	[dreg:$0x19] =	wrdreg s14  }
0x22: {  	s7 =	sadd.s32 $0xE6B68, s2;
	[dreg:$0x1a] =	wrdreg s15  }
0x23: {  	s18 =	simm.s32 $0x80;
	s5 =	sshrl.u32 @p0 s7, $0x3;
	s7 =	rddreg [dreg:$0x5]  }
0x24: {  	s19 =	simm.s32 $0xA0;
	[dreg:$0x1f] =	wrdreg s18  }
0x25: {  	[smem:$0x7FD] =	sst s19  }
0x26: {  	[dreg:$0x1c] =	wrdreg s5  }
0x27: {  	s4 =	simm.s32 @p0 $0x1FC5;
	s5 =	simm.s32 @p0 $0x5;
	s6 =	rddreg [dreg:$0x1c]  }
0x28: {  	[spmem:s6], [sflag:s4] =	dma.local @p0 [hbm:s7], $0x1ADB  }
0x29: {  	s6 =	sshll.u32 @!p0 s0, $0x6;
	_ =	swait.ge @p0 [sflag:s5], $0x1ADB  }
0x2a: {  	s7 =	simm.s32 @!p0 $0x5;
	s8 =	rddreg [dreg:$0x4];
	[sflag:s5] =	ssyncset.done @p0 $0x0  }
0x2b: {  	s6 =	sor.u32 @!p0 $0x1C05, s6;
	s9 =	rddreg [dreg:$0x1b];
	[sflag:s5] =	ssyncadd.s32 @p0 $0xFFFFE525  }
0x2c: {  	[spmem:s9], [sflag:s6] =	dma.local @!p0 [hbm:s8], $0x1EC3  }
0x2d: {  	_ =	swait.ge @!p0 [sflag:s7], $0x1EC3  }
0x2e: {  	[sflag:s7] =	ssyncset.done @!p0 $0x0  }
0x2f: {  	s8 =	simm.s32 $0x5;
	s20 =	rddreg [dreg:$0x6];
	[sflag:s7] =	ssyncadd.s32 @!p0 $0xFFFFE13D  }
0x30: {  	[tilespmem:s3], [sflag:$0x5] =	stream.linear.gather [hbm4b:s20+s3], $0x280, $0x38;
	[tilespmem:$0x1F0A8] =	vst v63  }
0x31: {  	_ =	swait.ge [sflag:s8], $0x280  }
0x32: {  	[sflag:s8] =	ssyncset.done $0x0  }
0x33: {  	s10 =	simm.s32 $0x280;
	[sflag:s8] =	ssyncadd.s32 $0xFFFFFD80  }
0x34: {  	s11 =	simm.s32 $0x1;
	s9 =	simm.s32 $0x20;
	[bflag:$0x0] =	sbarrier.arrive $0xFFFF  }
0x35: {  	[tilespmem:s10], [sflag:$0x1] =	stream.indirect.gather [spmem:s2], $0x3E8, s3, s9, $0xb8;
	[tilespmem:$0x1F0A8] =	vst v63  }
0x36: {  	_ =	swait.ge [sflag:s11], $0x7D00  }
0x37: {  	[sflag:s11] =	ssyncset.done $0x0  }
0x38: {  	s12 =	simm.s32 $0x7F80;
	[sflag:s11] =	ssyncadd.s32 $0xFFFF8300  }
0x39: {  	[tilespmem:s12], [sflag:$0x2] =	stream.indirect.gather [spmem:s2], $0x3E8, s9, s9, $0xb8;
	[tilespmem:$0x1F0A8] =	vst v63  }
0x3a: {  	s13 =	simm.s32 $0x2;
	s14 =	rddreg [dreg:$0x7]  }
0x3b: {  	[hbm4b:s14+s3] =	stream.linear.scatter [tilespmem:s10], [sflag:$0x3], $0x7D00, $0x38;
	[tilespmem:$0x1F0A8] =	vst v63  }
0x3c: {  	_ =	swait.ge [sflag:s13], $0x7D00  }
0x3d: {  	[sflag:s13] =	ssyncset.done $0x0  }
0x3e: {  	s14 =	simm.s32 $0x3;
	[sflag:s13] =	ssyncadd.s32 $0xFFFF8300  }
0x3f: {  	_ =	swait.ge [sflag:s14], $0x7D00  }
0x40: {  	[sflag:s14] =	ssyncset.done $0x0  }
0x41: {  	s15 =	rddreg [dreg:$0x1d];
	[sflag:s14] =	ssyncadd.s32 $0xFFFF8300  }
0x42: {  	[tilespmem:s10], [sflag:$0x1] =	stream.indirect.gather [spmem:s2], $0x3E8, s15, s9, $0xb8;
	[tilespmem:$0x1F0A8] =	vst v63  }
0x43: {  	s16 =	rddreg [dreg:$0x8]  }
0x44: {  	[hbm4b:s16+s3] =	stream.linear.scatter [tilespmem:s12], [sflag:$0x4], $0x7D00, $0x38;
	[tilespmem:$0x1F0A8] =	vst v63  }
0x45: {  	_ =	swait.ge [sflag:s11], $0x7D00  }
0x46: {  	[sflag:s11] =	ssyncset.done $0x0  }
0x47: {  	s15 =	simm.s32 $0x4;
	[sflag:s11] =	ssyncadd.s32 $0xFFFF8300  }
0x48: {  	_ =	swait.ge [sflag:s15], $0x7D00  }
0x49: {  	[sflag:s15] =	ssyncset.done $0x0  }
0x4a: {  	s21 =	rddreg [dreg:$0x1e];
	[sflag:s15] =	ssyncadd.s32 $0xFFFF8300  }
0x4b: {  	[tilespmem:s12], [sflag:$0x2] =	stream.indirect.gather [spmem:s2], $0x3E8, s21, s9, $0xb8;
	[tilespmem:$0x1F0A8] =	vst v63  }
0x4c: {  	s17 =	rddreg [dreg:$0x9]  }
0x4d: {  	[hbm4b:s17+s3] =	stream.linear.scatter [tilespmem:s10], [sflag:$0x3], $0x7D00, $0x38;
	[tilespmem:$0x1F0A8] =	vst v63  }
0x4e: {  	_ =	swait.ge [sflag:s13], $0x7D00  }
0x4f: {  	[sflag:s13] =	ssyncset.done $0x0  }
0x50: {  	[sflag:s13] =	ssyncadd.s32 $0xFFFF8300  }
0x51: {  	_ =	swait.ge [sflag:s14], $0x7D00  }
0x52: {  	[sflag:s14] =	ssyncset.done $0x0  }
0x53: {  	s22 =	rddreg [dreg:$0x1f];
	[sflag:s14] =	ssyncadd.s32 $0xFFFF8300  }
0x54: {  	[tilespmem:s10], [sflag:$0x1] =	stream.indirect.gather [spmem:s2], $0x3E8, s22, s9, $0xb8;
	[tilespmem:$0x1F0A8] =	vst v63  }
0x55: {  	s23 =	rddreg [dreg:$0xa]  }
0x56: {  	[hbm4b:s23+s3] =	stream.linear.scatter [tilespmem:s12], [sflag:$0x4], $0x7D00, $0x38;
	[tilespmem:$0x1F0A8] =	vst v63  }
0x57: {  	_ =	swait.ge [sflag:s11], $0x7D00  }
0x58: {  	[sflag:s11] =	ssyncset.done $0x0  }
0x59: {  	[sflag:s11] =	ssyncadd.s32 $0xFFFF8300  }
0x5a: {  	_ =	swait.ge [sflag:s15], $0x7D00  }
0x5b: {  	s24 =	sld [smem:$0x7FD]  }
0x5c: {  	[sflag:s15] =	ssyncset.done $0x0  }
0x5d: {  	[sflag:s15] =	ssyncadd.s32 $0xFFFF8300  }
0x5e: {  	[tilespmem:s12], [sflag:$0x2] =	stream.indirect.gather [spmem:s2], $0x3E8, s24, s9, $0xb8;
	[tilespmem:$0x1F0A8] =	vst v63  }
0x5f: {  	s25 =	rddreg [dreg:$0xb]  }
0x60: {  	[hbm4b:s25+s3] =	stream.linear.scatter [tilespmem:s10], [sflag:$0x3], $0x7D00, $0x38;
	[tilespmem:$0x1F0A8] =	vst v63  }
0x61: {  	_ =	swait.ge [sflag:s13], $0x7D00  }
0x62: {  	[sflag:s13] =	ssyncset.done $0x0  }
0x63: {  	[sflag:s13] =	ssyncadd.s32 $0xFFFF8300  }
0x64: {  	_ =	swait.ge [sflag:s14], $0x7D00  }
0x65: {  	[sflag:s14] =	ssyncset.done $0x0  }
0x66: {  	s16 =	simm.s32 $0xC0;
	[sflag:s14] =	ssyncadd.s32 $0xFFFF8300  }
0x67: {  	[tilespmem:s10], [sflag:$0x1] =	stream.indirect.gather [spmem:s2], $0x3E8, s16, s9, $0xb8;
	[tilespmem:$0x1F0A8] =	vst v63  }
0x68: {  	s26 =	rddreg [dreg:$0xc]  }
0x69: {  	[hbm4b:s26+s3] =	stream.linear.scatter [tilespmem:s12], [sflag:$0x4], $0x7D00, $0x38;
	[tilespmem:$0x1F0A8] =	vst v63  }
0x6a: {  	_ =	swait.ge [sflag:s11], $0x7D00  }
0x6b: {  	[sflag:s11] =	ssyncset.done $0x0  }
0x6c: {  	[sflag:s11] =	ssyncadd.s32 $0xFFFF8300  }
0x6d: {  	_ =	swait.ge [sflag:s15], $0x7D00  }
0x6e: {  	[sflag:s15] =	ssyncset.done $0x0  }
0x6f: {  	s17 =	simm.s32 $0xE0;
	[sflag:s15] =	ssyncadd.s32 $0xFFFF8300  }
0x70: {  	[tilespmem:s12], [sflag:$0x2] =	stream.indirect.gather [spmem:s2], $0x3E8, s17, s9, $0xb8;
	[tilespmem:$0x1F0A8] =	vst v63  }
0x71: {  	s18 =	rddreg [dreg:$0xd]  }
0x72: {  	[hbm4b:s18+s3] =	stream.linear.scatter [tilespmem:s10], [sflag:$0x3], $0x7D00, $0x38;
	[tilespmem:$0x1F0A8] =	vst v63  }
0x73: {  	_ =	swait.ge [sflag:s13], $0x7D00  }
0x74: {  	[sflag:s13] =	ssyncset.done $0x0  }
0x75: {  	[sflag:s13] =	ssyncadd.s32 $0xFFFF8300  }
0x76: {  	_ =	swait.ge [sflag:s14], $0x7D00  }
0x77: {  	[sflag:s14] =	ssyncset.done $0x0  }
0x78: {  	s18 =	simm.s32 $0x100;
	[sflag:s14] =	ssyncadd.s32 $0xFFFF8300  }
0x79: {  	[tilespmem:s10], [sflag:$0x1] =	stream.indirect.gather [spmem:s2], $0x3E8, s18, s9, $0xb8;
	[tilespmem:$0x1F0A8] =	vst v63  }
0x7a: {  	s19 =	rddreg [dreg:$0xe]  }
0x7b: {  	[hbm4b:s19+s3] =	stream.linear.scatter [tilespmem:s12], [sflag:$0x4], $0x7D00, $0x38;
	[tilespmem:$0x1F0A8] =	vst v63  }
0x7c: {  	_ =	swait.ge [sflag:s11], $0x7D00  }
0x7d: {  	[sflag:s11] =	ssyncset.done $0x0  }
0x7e: {  	[sflag:s11] =	ssyncadd.s32 $0xFFFF8300  }
0x7f: {  	_ =	swait.ge [sflag:s15], $0x7D00  }
0x80: {  	[sflag:s15] =	ssyncset.done $0x0  }
0x81: {  	s19 =	simm.s32 $0x120;
	[sflag:s15] =	ssyncadd.s32 $0xFFFF8300  }
0x82: {  	[tilespmem:s12], [sflag:$0x2] =	stream.indirect.gather [spmem:s2], $0x3E8, s19, s9, $0xb8;
	[tilespmem:$0x1F0A8] =	vst v63  }
0x83: {  	s20 =	rddreg [dreg:$0xf]  }
0x84: {  	[hbm4b:s20+s3] =	stream.linear.scatter [tilespmem:s10], [sflag:$0x3], $0x7D00, $0x38;
	[tilespmem:$0x1F0A8] =	vst v63  }
0x85: {  	_ =	swait.ge [sflag:s13], $0x7D00  }
0x86: {  	[sflag:s13] =	ssyncset.done $0x0  }
0x87: {  	[sflag:s13] =	ssyncadd.s32 $0xFFFF8300  }
0x88: {  	_ =	swait.ge [sflag:s14], $0x7D00  }
0x89: {  	[sflag:s14] =	ssyncset.done $0x0  }
0x8a: {  	s20 =	simm.s32 $0x140;
	[sflag:s14] =	ssyncadd.s32 $0xFFFF8300  }
0x8b: {  	[tilespmem:s10], [sflag:$0x1] =	stream.indirect.gather [spmem:s2], $0x3E8, s20, s9, $0xb8;
	[tilespmem:$0x1F0A8] =	vst v63  }
0x8c: {  	s21 =	rddreg [dreg:$0x10]  }
0x8d: {  	[hbm4b:s21+s3] =	stream.linear.scatter [tilespmem:s12], [sflag:$0x4], $0x7D00, $0x38;
	[tilespmem:$0x1F0A8] =	vst v63  }
0x8e: {  	_ =	swait.ge [sflag:s11], $0x7D00  }
0x8f: {  	[sflag:s11] =	ssyncset.done $0x0  }
0x90: {  	[sflag:s11] =	ssyncadd.s32 $0xFFFF8300  }
0x91: {  	_ =	swait.ge [sflag:s15], $0x7D00  }
0x92: {  	[sflag:s15] =	ssyncset.done $0x0  }
0x93: {  	s21 =	simm.s32 $0x160;
	[sflag:s15] =	ssyncadd.s32 $0xFFFF8300  }
0x94: {  	[tilespmem:s12], [sflag:$0x2] =	stream.indirect.gather [spmem:s2], $0x3E8, s21, s9, $0xb8;
	[tilespmem:$0x1F0A8] =	vst v63  }
0x95: {  	s22 =	rddreg [dreg:$0x11]  }
0x96: {  	[hbm4b:s22+s3] =	stream.linear.scatter [tilespmem:s10], [sflag:$0x3], $0x7D00, $0x38;
	[tilespmem:$0x1F0A8] =	vst v63  }
0x97: {  	_ =	swait.ge [sflag:s13], $0x7D00  }
0x98: {  	[sflag:s13] =	ssyncset.done $0x0  }
0x99: {  	[sflag:s13] =	ssyncadd.s32 $0xFFFF8300  }
0x9a: {  	_ =	swait.ge [sflag:s14], $0x7D00  }
0x9b: {  	[sflag:s14] =	ssyncset.done $0x0  }
0x9c: {  	s22 =	simm.s32 $0x180;
	[sflag:s14] =	ssyncadd.s32 $0xFFFF8300  }
0x9d: {  	[tilespmem:s10], [sflag:$0x1] =	stream.indirect.gather [spmem:s2], $0x3E8, s22, s9, $0xb8;
	[tilespmem:$0x1F0A8] =	vst v63  }
0x9e: {  	s23 =	rddreg [dreg:$0x12]  }
0x9f: {  	[hbm4b:s23+s3] =	stream.linear.scatter [tilespmem:s12], [sflag:$0x4], $0x7D00, $0x38;
	[tilespmem:$0x1F0A8] =	vst v63  }
0xa0: {  	_ =	swait.ge [sflag:s11], $0x7D00  }
0xa1: {  	[sflag:s11] =	ssyncset.done $0x0  }
0xa2: {  	[sflag:s11] =	ssyncadd.s32 $0xFFFF8300  }
0xa3: {  	_ =	swait.ge [sflag:s15], $0x7D00  }
0xa4: {  	[sflag:s15] =	ssyncset.done $0x0  }
0xa5: {  	s23 =	simm.s32 $0x1A0;
	[sflag:s15] =	ssyncadd.s32 $0xFFFF8300  }
0xa6: {  	[tilespmem:s12], [sflag:$0x2] =	stream.indirect.gather [spmem:s2], $0x3E8, s23, s9, $0xb8;
	[tilespmem:$0x1F0A8] =	vst v63  }
0xa7: {  	s24 =	rddreg [dreg:$0x13]  }
0xa8: {  	[hbm4b:s24+s3] =	stream.linear.scatter [tilespmem:s10], [sflag:$0x3], $0x7D00, $0x38;
	[tilespmem:$0x1F0A8] =	vst v63  }
0xa9: {  	_ =	swait.ge [sflag:s13], $0x7D00  }
0xaa: {  	[sflag:s13] =	ssyncset.done $0x0  }
0xab: {  	[sflag:s13] =	ssyncadd.s32 $0xFFFF8300  }
0xac: {  	_ =	swait.ge [sflag:s14], $0x7D00  }
0xad: {  	[sflag:s14] =	ssyncset.done $0x0  }
0xae: {  	s24 =	simm.s32 $0x1C0;
	[sflag:s14] =	ssyncadd.s32 $0xFFFF8300  }
0xaf: {  	[tilespmem:s10], [sflag:$0x1] =	stream.indirect.gather [spmem:s2], $0x3E8, s24, s9, $0xb8;
	[tilespmem:$0x1F0A8] =	vst v63  }
0xb0: {  	s25 =	rddreg [dreg:$0x14]  }
0xb1: {  	[hbm4b:s25+s3] =	stream.linear.scatter [tilespmem:s12], [sflag:$0x4], $0x7D00, $0x38;
	[tilespmem:$0x1F0A8] =	vst v63  }
0xb2: {  	_ =	swait.ge [sflag:s11], $0x7D00  }
0xb3: {  	[sflag:s11] =	ssyncset.done $0x0  }
0xb4: {  	[sflag:s11] =	ssyncadd.s32 $0xFFFF8300  }
0xb5: {  	_ =	swait.ge [sflag:s15], $0x7D00  }
0xb6: {  	[sflag:s15] =	ssyncset.done $0x0  }
0xb7: {  	s25 =	simm.s32 $0x1E0;
	[sflag:s15] =	ssyncadd.s32 $0xFFFF8300  }
0xb8: {  	[tilespmem:s12], [sflag:$0x2] =	stream.indirect.gather [spmem:s2], $0x3E8, s25, s9, $0xb8;
	[tilespmem:$0x1F0A8] =	vst v63  }
0xb9: {  	s26 =	rddreg [dreg:$0x15]  }
0xba: {  	[hbm4b:s26+s3] =	stream.linear.scatter [tilespmem:s10], [sflag:$0x3], $0x7D00, $0x38;
	[tilespmem:$0x1F0A8] =	vst v63  }
0xbb: {  	_ =	swait.ge [sflag:s13], $0x7D00  }
0xbc: {  	[sflag:s13] =	ssyncset.done $0x0  }
0xbd: {  	[sflag:s13] =	ssyncadd.s32 $0xFFFF8300  }
0xbe: {  	_ =	swait.ge [sflag:s14], $0x7D00  }
0xbf: {  	[sflag:s14] =	ssyncset.done $0x0  }
0xc0: {  	s26 =	simm.s32 $0x200;
	[sflag:s14] =	ssyncadd.s32 $0xFFFF8300  }
0xc1: {  	[tilespmem:s10], [sflag:$0x1] =	stream.indirect.gather [spmem:s2], $0x3E8, s26, s9, $0xb8;
	[tilespmem:$0x1F0A8] =	vst v63  }
0xc2: {  	s28 =	rddreg [dreg:$0x16]  }
0xc3: {  	[hbm4b:s28+s3] =	stream.linear.scatter [tilespmem:s12], [sflag:$0x4], $0x7D00, $0x38;
	[tilespmem:$0x1F0A8] =	vst v63  }
0xc4: {  	_ =	swait.ge [sflag:s11], $0x7D00  }
0xc5: {  	[sflag:s11] =	ssyncset.done $0x0  }
0xc6: {  	[sflag:s11] =	ssyncadd.s32 $0xFFFF8300  }
0xc7: {  	_ =	swait.ge [sflag:s15], $0x7D00  }
0xc8: {  	[sflag:s15] =	ssyncset.done $0x0  }
0xc9: {  	s28 =	simm.s32 $0x220;
	[sflag:s15] =	ssyncadd.s32 $0xFFFF8300  }
0xca: {  	[tilespmem:s12], [sflag:$0x2] =	stream.indirect.gather [spmem:s2], $0x3E8, s28, s9, $0xb8;
	[tilespmem:$0x1F0A8] =	vst v63  }
0xcb: {  	s29 =	rddreg [dreg:$0x17]  }
0xcc: {  	[hbm4b:s29+s3] =	stream.linear.scatter [tilespmem:s10], [sflag:$0x3], $0x7D00, $0x38;
	[tilespmem:$0x1F0A8] =	vst v63  }
0xcd: {  	_ =	swait.ge [sflag:s13], $0x7D00  }
0xce: {  	[sflag:s13] =	ssyncset.done $0x0  }
0xcf: {  	[sflag:s13] =	ssyncadd.s32 $0xFFFF8300  }
0xd0: {  	_ =	swait.ge [sflag:s14], $0x7D00  }
0xd1: {  	[sflag:s14] =	ssyncset.done $0x0  }
0xd2: {  	s29 =	simm.s32 $0x240;
	[sflag:s14] =	ssyncadd.s32 $0xFFFF8300  }
0xd3: {  	[tilespmem:s10], [sflag:$0x1] =	stream.indirect.gather [spmem:s2], $0x3E8, s29, s9, $0xb8;
	[tilespmem:$0x1F0A8] =	vst v63  }
0xd4: {  	s30 =	rddreg [dreg:$0x18]  }
0xd5: {  	[hbm4b:s30+s3] =	stream.linear.scatter [tilespmem:s12], [sflag:$0x4], $0x7D00, $0x38;
	[tilespmem:$0x1F0A8] =	vst v63  }
0xd6: {  	_ =	swait.ge [sflag:s11], $0x7D00  }
0xd7: {  	[sflag:s11] =	ssyncset.done $0x0  }
0xd8: {  	[sflag:s11] =	ssyncadd.s32 $0xFFFF8300  }
0xd9: {  	_ =	swait.ge [sflag:s15], $0x7D00  }
0xda: {  	[sflag:s15] =	ssyncset.done $0x0  }
0xdb: {  	s30 =	simm.s32 $0x260;
	[sflag:s15] =	ssyncadd.s32 $0xFFFF8300  }
0xdc: {  	[tilespmem:s12], [sflag:$0x2] =	stream.indirect.gather [spmem:s2], $0x3E8, s30, s9, $0xb8;
	[tilespmem:$0x1F0A8] =	vst v63  }
0xdd: {  	s1 =	ssub.s32 $0x2, s31;
	s0 =	rddreg [dreg:$0x19]  }
0xde: {  	[hbm4b:s0+s3] =	stream.linear.scatter [tilespmem:s10], [sflag:$0x3], $0x7D00, $0x38;
	[tilespmem:$0x1F0A8] =	vst v63  }
0xdf: {  	s0 =	sshrl.u32 s1, $0x1;
	_ =	swait.ge [sflag:s13], $0x7D00  }
0xe0: {  	s0 =	ssub.s32 s1, s0;
	[sflag:s13] =	ssyncset.done $0x0  }
0xe1: {  	s31 =	rddreg [dreg:$0x1a];
	s0 =	smax.u32 s0, $0x1;
	[sflag:s13] =	ssyncadd.s32 $0xFFFF8300  }
0xe2: {  	[hbm4b:s31+s3] =	stream.linear.scatter [tilespmem:s12], [sflag:$0x4], $0x7D00, $0x38;
	[tilespmem:$0x1F0A8] =	vst v63  }
0xe3: {  	s31 =	sadd.s32 $0xFFFFFFFF, s0  }
0xe4: {  	p1 =	sne.s32 s31, $0x0  }
.Ltmp0:
0xe5: {  	_ = 	snop;
	(pc) =	sbr.rel @!p1 .LBB2_2-.Ltmp0, $4  }
0xe6: {  	_ =	swait.ge [sflag:s14], $0x7D00  }
0xe7: {  	[sflag:s14] =	ssyncset.done $0x0  }
0xe8: {  	[sflag:s14] =	ssyncadd.s32 $0xFFFF8300  }
0xe9: {  	_ =	swait.ge [sflag:s15], $0x7D00  }
.LBB2_1:
0xea: {  	s0 =	rddreg [dreg:$0x1c];
	[sflag:s15] =	ssyncset.done $0x0  }
0xeb: {  	s1 =	rddreg [dreg:$0x5];
	[sflag:s15] =	ssyncadd.s32 $0xFFFF8300  }
0xec: {  	[spmem:s0], [sflag:s4] =	dma.local @p0 [hbm:s1], $0x1ADB  }
0xed: {  	_ =	swait.ge @p0 [sflag:s5], $0x1ADB  }
0xee: {  	[sflag:s5] =	ssyncset.done @p0 $0x0;
	s0 =	rddreg [dreg:$0x4]  }
0xef: {  	s1 =	rddreg [dreg:$0x1b];
	[sflag:s5] =	ssyncadd.s32 @p0 $0xFFFFE525  }
0xf0: {  	[spmem:s1], [sflag:s6] =	dma.local @!p0 [hbm:s0], $0x1EC3  }
0xf1: {  	_ =	swait.ge @!p0 [sflag:s7], $0x1EC3  }
0xf2: {  	[sflag:s7] =	ssyncset.done @!p0 $0x0  }
0xf3: {  	s1 =	rddreg [dreg:$0x6];
	[sflag:s7] =	ssyncadd.s32 @!p0 $0xFFFFE13D  }
0xf4: {  	[tilespmem:s3], [sflag:$0x5] =	stream.linear.gather [hbm4b:s1+s3], $0x280, $0x38;
	[tilespmem:$0x1F0A8] =	vst v63  }
0xf5: {  	_ =	swait.ge [sflag:s8], $0x280  }
0xf6: {  	[sflag:s8] =	ssyncset.done $0x0  }
0xf7: {  	[sflag:s8] =	ssyncadd.s32 $0xFFFFFD80  }
0xf8: {  	[bflag:$0x0] =	sbarrier.arrive $0xFFFF  }
0xf9: {  	[tilespmem:s10], [sflag:$0x1] =	stream.indirect.gather [spmem:s2], $0x3E8, s3, s9, $0xb8;
	[tilespmem:$0x1F0A8] =	vst v63  }
0xfa: {  	_ =	swait.ge [sflag:s11], $0x7D00  }
0xfb: {  	[sflag:s11] =	ssyncset.done $0x0  }
0xfc: {  	[sflag:s11] =	ssyncadd.s32 $0xFFFF8300  }
0xfd: {  	[tilespmem:s12], [sflag:$0x2] =	stream.indirect.gather [spmem:s2], $0x3E8, s9, s9, $0xb8;
	[tilespmem:$0x1F0A8] =	vst v63  }
0xfe: {  	s1 =	rddreg [dreg:$0x7]  }
0xff: {  	[hbm4b:s1+s3] =	stream.linear.scatter [tilespmem:s10], [sflag:$0x3], $0x7D00, $0x38;
	[tilespmem:$0x1F0A8] =	vst v63  }
0x100: {  	_ =	swait.ge [sflag:s13], $0x7D00  }
0x101: {  	[sflag:s13] =	ssyncset.done $0x0  }
0x102: {  	[sflag:s13] =	ssyncadd.s32 $0xFFFF8300  }
0x103: {  	_ =	swait.ge [sflag:s14], $0x7D00  }
0x104: {  	[sflag:s14] =	ssyncset.done $0x0  }
0x105: {  	s0 =	rddreg [dreg:$0x1d];
	[sflag:s14] =	ssyncadd.s32 $0xFFFF8300  }
0x106: {  	[tilespmem:s10], [sflag:$0x1] =	stream.indirect.gather [spmem:s2], $0x3E8, s0, s9, $0xb8;
	[tilespmem:$0x1F0A8] =	vst v63  }
0x107: {  	s1 =	rddreg [dreg:$0x8]  }
0x108: {  	[hbm4b:s1+s3] =	stream.linear.scatter [tilespmem:s12], [sflag:$0x4], $0x7D00, $0x38;
	[tilespmem:$0x1F0A8] =	vst v63  }
0x109: {  	_ =	swait.ge [sflag:s11], $0x7D00  }
0x10a: {  	[sflag:s11] =	ssyncset.done $0x0  }
0x10b: {  	[sflag:s11] =	ssyncadd.s32 $0xFFFF8300  }
0x10c: {  	_ =	swait.ge [sflag:s15], $0x7D00  }
0x10d: {  	[sflag:s15] =	ssyncset.done $0x0  }
0x10e: {  	s0 =	rddreg [dreg:$0x1e];
	[sflag:s15] =	ssyncadd.s32 $0xFFFF8300  }
0x10f: {  	[tilespmem:s12], [sflag:$0x2] =	stream.indirect.gather [spmem:s2], $0x3E8, s0, s9, $0xb8;
	[tilespmem:$0x1F0A8] =	vst v63  }
0x110: {  	s1 =	rddreg [dreg:$0x9]  }
0x111: {  	[hbm4b:s1+s3] =	stream.linear.scatter [tilespmem:s10], [sflag:$0x3], $0x7D00, $0x38;
	[tilespmem:$0x1F0A8] =	vst v63  }
0x112: {  	_ =	swait.ge [sflag:s13], $0x7D00  }
0x113: {  	[sflag:s13] =	ssyncset.done $0x0  }
0x114: {  	[sflag:s13] =	ssyncadd.s32 $0xFFFF8300  }
0x115: {  	_ =	swait.ge [sflag:s14], $0x7D00  }
0x116: {  	[sflag:s14] =	ssyncset.done $0x0  }
0x117: {  	s0 =	rddreg [dreg:$0x1f];
	[sflag:s14] =	ssyncadd.s32 $0xFFFF8300  }
0x118: {  	[tilespmem:s10], [sflag:$0x1] =	stream.indirect.gather [spmem:s2], $0x3E8, s0, s9, $0xb8;
	[tilespmem:$0x1F0A8] =	vst v63  }
0x119: {  	s1 =	rddreg [dreg:$0xa]  }
0x11a: {  	[hbm4b:s1+s3] =	stream.linear.scatter [tilespmem:s12], [sflag:$0x4], $0x7D00, $0x38;
	[tilespmem:$0x1F0A8] =	vst v63  }
0x11b: {  	_ =	swait.ge [sflag:s11], $0x7D00  }
0x11c: {  	[sflag:s11] =	ssyncset.done $0x0  }
0x11d: {  	[sflag:s11] =	ssyncadd.s32 $0xFFFF8300  }
0x11e: {  	_ =	swait.ge [sflag:s15], $0x7D00  }
0x11f: {  	s0 =	sld [smem:$0x7FD]  }
0x120: {  	[sflag:s15] =	ssyncset.done $0x0  }
0x121: {  	[sflag:s15] =	ssyncadd.s32 $0xFFFF8300  }
0x122: {  	[tilespmem:s12], [sflag:$0x2] =	stream.indirect.gather [spmem:s2], $0x3E8, s0, s9, $0xb8;
	[tilespmem:$0x1F0A8] =	vst v63  }
0x123: {  	s1 =	rddreg [dreg:$0xb]  }
0x124: {  	[hbm4b:s1+s3] =	stream.linear.scatter [tilespmem:s10], [sflag:$0x3], $0x7D00, $0x38;
	[tilespmem:$0x1F0A8] =	vst v63  }
0x125: {  	_ =	swait.ge [sflag:s13], $0x7D00  }
0x126: {  	[sflag:s13] =	ssyncset.done $0x0  }
0x127: {  	[sflag:s13] =	ssyncadd.s32 $0xFFFF8300  }
0x128: {  	_ =	swait.ge [sflag:s14], $0x7D00  }
0x129: {  	[sflag:s14] =	ssyncset.done $0x0  }
0x12a: {  	[sflag:s14] =	ssyncadd.s32 $0xFFFF8300  }
0x12b: {  	[tilespmem:s10], [sflag:$0x1] =	stream.indirect.gather [spmem:s2], $0x3E8, s16, s9, $0xb8;
	[tilespmem:$0x1F0A8] =	vst v63  }
0x12c: {  	s1 =	rddreg [dreg:$0xc]  }
0x12d: {  	[hbm4b:s1+s3] =	stream.linear.scatter [tilespmem:s12], [sflag:$0x4], $0x7D00, $0x38;
	[tilespmem:$0x1F0A8] =	vst v63  }
0x12e: {  	_ =	swait.ge [sflag:s11], $0x7D00  }
0x12f: {  	[sflag:s11] =	ssyncset.done $0x0  }
0x130: {  	[sflag:s11] =	ssyncadd.s32 $0xFFFF8300  }
0x131: {  	_ =	swait.ge [sflag:s15], $0x7D00  }
0x132: {  	[sflag:s15] =	ssyncset.done $0x0  }
0x133: {  	[sflag:s15] =	ssyncadd.s32 $0xFFFF8300  }
0x134: {  	[tilespmem:s12], [sflag:$0x2] =	stream.indirect.gather [spmem:s2], $0x3E8, s17, s9, $0xb8;
	[tilespmem:$0x1F0A8] =	vst v63  }
0x135: {  	s1 =	rddreg [dreg:$0xd]  }
0x136: {  	[hbm4b:s1+s3] =	stream.linear.scatter [tilespmem:s10], [sflag:$0x3], $0x7D00, $0x38;
	[tilespmem:$0x1F0A8] =	vst v63  }
0x137: {  	_ =	swait.ge [sflag:s13], $0x7D00  }
0x138: {  	[sflag:s13] =	ssyncset.done $0x0  }
0x139: {  	[sflag:s13] =	ssyncadd.s32 $0xFFFF8300  }
0x13a: {  	_ =	swait.ge [sflag:s14], $0x7D00  }
0x13b: {  	[sflag:s14] =	ssyncset.done $0x0  }
0x13c: {  	[sflag:s14] =	ssyncadd.s32 $0xFFFF8300  }
0x13d: {  	[tilespmem:s10], [sflag:$0x1] =	stream.indirect.gather [spmem:s2], $0x3E8, s18, s9, $0xb8;
	[tilespmem:$0x1F0A8] =	vst v63  }
0x13e: {  	s1 =	rddreg [dreg:$0xe]  }
0x13f: {  	[hbm4b:s1+s3] =	stream.linear.scatter [tilespmem:s12], [sflag:$0x4], $0x7D00, $0x38;
	[tilespmem:$0x1F0A8] =	vst v63  }
0x140: {  	_ =	swait.ge [sflag:s11], $0x7D00  }
0x141: {  	[sflag:s11] =	ssyncset.done $0x0  }
0x142: {  	[sflag:s11] =	ssyncadd.s32 $0xFFFF8300  }
0x143: {  	_ =	swait.ge [sflag:s15], $0x7D00  }
0x144: {  	[sflag:s15] =	ssyncset.done $0x0  }
0x145: {  	[sflag:s15] =	ssyncadd.s32 $0xFFFF8300  }
0x146: {  	[tilespmem:s12], [sflag:$0x2] =	stream.indirect.gather [spmem:s2], $0x3E8, s19, s9, $0xb8;
	[tilespmem:$0x1F0A8] =	vst v63  }
0x147: {  	s1 =	rddreg [dreg:$0xf]  }
0x148: {  	[hbm4b:s1+s3] =	stream.linear.scatter [tilespmem:s10], [sflag:$0x3], $0x7D00, $0x38;
	[tilespmem:$0x1F0A8] =	vst v63  }
0x149: {  	_ =	swait.ge [sflag:s13], $0x7D00  }
0x14a: {  	[sflag:s13] =	ssyncset.done $0x0  }
0x14b: {  	[sflag:s13] =	ssyncadd.s32 $0xFFFF8300  }
0x14c: {  	_ =	swait.ge [sflag:s14], $0x7D00  }
0x14d: {  	[sflag:s14] =	ssyncset.done $0x0  }
0x14e: {  	[sflag:s14] =	ssyncadd.s32 $0xFFFF8300  }
0x14f: {  	[tilespmem:s10], [sflag:$0x1] =	stream.indirect.gather [spmem:s2], $0x3E8, s20, s9, $0xb8;
	[tilespmem:$0x1F0A8] =	vst v63  }
0x150: {  	s1 =	rddreg [dreg:$0x10]  }
0x151: {  	[hbm4b:s1+s3] =	stream.linear.scatter [tilespmem:s12], [sflag:$0x4], $0x7D00, $0x38;
	[tilespmem:$0x1F0A8] =	vst v63  }
0x152: {  	_ =	swait.ge [sflag:s11], $0x7D00  }
0x153: {  	[sflag:s11] =	ssyncset.done $0x0  }
0x154: {  	[sflag:s11] =	ssyncadd.s32 $0xFFFF8300  }
0x155: {  	_ =	swait.ge [sflag:s15], $0x7D00  }
0x156: {  	[sflag:s15] =	ssyncset.done $0x0  }
0x157: {  	[sflag:s15] =	ssyncadd.s32 $0xFFFF8300  }
0x158: {  	[tilespmem:s12], [sflag:$0x2] =	stream.indirect.gather [spmem:s2], $0x3E8, s21, s9, $0xb8;
	[tilespmem:$0x1F0A8] =	vst v63  }
0x159: {  	s1 =	rddreg [dreg:$0x11]  }
0x15a: {  	[hbm4b:s1+s3] =	stream.linear.scatter [tilespmem:s10], [sflag:$0x3], $0x7D00, $0x38;
	[tilespmem:$0x1F0A8] =	vst v63  }
0x15b: {  	_ =	swait.ge [sflag:s13], $0x7D00  }
0x15c: {  	[sflag:s13] =	ssyncset.done $0x0  }
0x15d: {  	[sflag:s13] =	ssyncadd.s32 $0xFFFF8300  }
0x15e: {  	_ =	swait.ge [sflag:s14], $0x7D00  }
0x15f: {  	[sflag:s14] =	ssyncset.done $0x0  }
0x160: {  	[sflag:s14] =	ssyncadd.s32 $0xFFFF8300  }
0x161: {  	[tilespmem:s10], [sflag:$0x1] =	stream.indirect.gather [spmem:s2], $0x3E8, s22, s9, $0xb8;
	[tilespmem:$0x1F0A8] =	vst v63  }
0x162: {  	s1 =	rddreg [dreg:$0x12]  }
0x163: {  	[hbm4b:s1+s3] =	stream.linear.scatter [tilespmem:s12], [sflag:$0x4], $0x7D00, $0x38;
	[tilespmem:$0x1F0A8] =	vst v63  }
0x164: {  	_ =	swait.ge [sflag:s11], $0x7D00  }
0x165: {  	[sflag:s11] =	ssyncset.done $0x0  }
0x166: {  	[sflag:s11] =	ssyncadd.s32 $0xFFFF8300  }
0x167: {  	_ =	swait.ge [sflag:s15], $0x7D00  }
0x168: {  	[sflag:s15] =	ssyncset.done $0x0  }
0x169: {  	[sflag:s15] =	ssyncadd.s32 $0xFFFF8300  }
0x16a: {  	[tilespmem:s12], [sflag:$0x2] =	stream.indirect.gather [spmem:s2], $0x3E8, s23, s9, $0xb8;
	[tilespmem:$0x1F0A8] =	vst v63  }
0x16b: {  	s1 =	rddreg [dreg:$0x13]  }
0x16c: {  	[hbm4b:s1+s3] =	stream.linear.scatter [tilespmem:s10], [sflag:$0x3], $0x7D00, $0x38;
	[tilespmem:$0x1F0A8] =	vst v63  }
0x16d: {  	_ =	swait.ge [sflag:s13], $0x7D00  }
0x16e: {  	[sflag:s13] =	ssyncset.done $0x0  }
0x16f: {  	[sflag:s13] =	ssyncadd.s32 $0xFFFF8300  }
0x170: {  	_ =	swait.ge [sflag:s14], $0x7D00  }
0x171: {  	[sflag:s14] =	ssyncset.done $0x0  }
0x172: {  	[sflag:s14] =	ssyncadd.s32 $0xFFFF8300  }
0x173: {  	[tilespmem:s10], [sflag:$0x1] =	stream.indirect.gather [spmem:s2], $0x3E8, s24, s9, $0xb8;
	[tilespmem:$0x1F0A8] =	vst v63  }
0x174: {  	s1 =	rddreg [dreg:$0x14]  }
0x175: {  	[hbm4b:s1+s3] =	stream.linear.scatter [tilespmem:s12], [sflag:$0x4], $0x7D00, $0x38;
	[tilespmem:$0x1F0A8] =	vst v63  }
0x176: {  	_ =	swait.ge [sflag:s11], $0x7D00  }
0x177: {  	[sflag:s11] =	ssyncset.done $0x0  }
0x178: {  	[sflag:s11] =	ssyncadd.s32 $0xFFFF8300  }
0x179: {  	_ =	swait.ge [sflag:s15], $0x7D00  }
0x17a: {  	[sflag:s15] =	ssyncset.done $0x0  }
0x17b: {  	[sflag:s15] =	ssyncadd.s32 $0xFFFF8300  }
0x17c: {  	[tilespmem:s12], [sflag:$0x2] =	stream.indirect.gather [spmem:s2], $0x3E8, s25, s9, $0xb8;
	[tilespmem:$0x1F0A8] =	vst v63  }
0x17d: {  	s1 =	rddreg [dreg:$0x15]  }
0x17e: {  	[hbm4b:s1+s3] =	stream.linear.scatter [tilespmem:s10], [sflag:$0x3], $0x7D00, $0x38;
	[tilespmem:$0x1F0A8] =	vst v63  }
0x17f: {  	_ =	swait.ge [sflag:s13], $0x7D00  }
0x180: {  	[sflag:s13] =	ssyncset.done $0x0  }
0x181: {  	[sflag:s13] =	ssyncadd.s32 $0xFFFF8300  }
0x182: {  	_ =	swait.ge [sflag:s14], $0x7D00  }
0x183: {  	[sflag:s14] =	ssyncset.done $0x0  }
0x184: {  	[sflag:s14] =	ssyncadd.s32 $0xFFFF8300  }
0x185: {  	[tilespmem:s10], [sflag:$0x1] =	stream.indirect.gather [spmem:s2], $0x3E8, s26, s9, $0xb8;
	[tilespmem:$0x1F0A8] =	vst v63  }
0x186: {  	s1 =	rddreg [dreg:$0x16]  }
0x187: {  	[hbm4b:s1+s3] =	stream.linear.scatter [tilespmem:s12], [sflag:$0x4], $0x7D00, $0x38;
	[tilespmem:$0x1F0A8] =	vst v63  }
0x188: {  	_ =	swait.ge [sflag:s11], $0x7D00  }
0x189: {  	[sflag:s11] =	ssyncset.done $0x0  }
0x18a: {  	[sflag:s11] =	ssyncadd.s32 $0xFFFF8300  }
0x18b: {  	_ =	swait.ge [sflag:s15], $0x7D00  }
0x18c: {  	[sflag:s15] =	ssyncset.done $0x0  }
0x18d: {  	[sflag:s15] =	ssyncadd.s32 $0xFFFF8300  }
0x18e: {  	[tilespmem:s12], [sflag:$0x2] =	stream.indirect.gather [spmem:s2], $0x3E8, s28, s9, $0xb8;
	[tilespmem:$0x1F0A8] =	vst v63  }
0x18f: {  	s1 =	rddreg [dreg:$0x17]  }
0x190: {  	[hbm4b:s1+s3] =	stream.linear.scatter [tilespmem:s10], [sflag:$0x3], $0x7D00, $0x38;
	[tilespmem:$0x1F0A8] =	vst v63  }
0x191: {  	_ =	swait.ge [sflag:s13], $0x7D00  }
0x192: {  	[sflag:s13] =	ssyncset.done $0x0  }
0x193: {  	[sflag:s13] =	ssyncadd.s32 $0xFFFF8300  }
0x194: {  	_ =	swait.ge [sflag:s14], $0x7D00  }
0x195: {  	[sflag:s14] =	ssyncset.done $0x0  }
0x196: {  	[sflag:s14] =	ssyncadd.s32 $0xFFFF8300  }
0x197: {  	[tilespmem:s10], [sflag:$0x1] =	stream.indirect.gather [spmem:s2], $0x3E8, s29, s9, $0xb8;
	[tilespmem:$0x1F0A8] =	vst v63  }
0x198: {  	s1 =	rddreg [dreg:$0x18]  }
0x199: {  	[hbm4b:s1+s3] =	stream.linear.scatter [tilespmem:s12], [sflag:$0x4], $0x7D00, $0x38;
	[tilespmem:$0x1F0A8] =	vst v63  }
0x19a: {  	_ =	swait.ge [sflag:s11], $0x7D00  }
0x19b: {  	[sflag:s11] =	ssyncset.done $0x0  }
0x19c: {  	[sflag:s11] =	ssyncadd.s32 $0xFFFF8300  }
0x19d: {  	_ =	swait.ge [sflag:s15], $0x7D00  }
0x19e: {  	[sflag:s15] =	ssyncset.done $0x0  }
0x19f: {  	[sflag:s15] =	ssyncadd.s32 $0xFFFF8300  }
0x1a0: {  	[tilespmem:s12], [sflag:$0x2] =	stream.indirect.gather [spmem:s2], $0x3E8, s30, s9, $0xb8;
	[tilespmem:$0x1F0A8] =	vst v63  }
0x1a1: {  	s1 =	rddreg [dreg:$0x19]  }
0x1a2: {  	[hbm4b:s1+s3] =	stream.linear.scatter [tilespmem:s10], [sflag:$0x3], $0x7D00, $0x38;
	[tilespmem:$0x1F0A8] =	vst v63  }
0x1a3: {  	_ =	swait.ge [sflag:s13], $0x7D00  }
0x1a4: {  	s31 =	sadd.s32 $0xFFFFFFFF, s31;
	[sflag:s13] =	ssyncset.done $0x0  }
0x1a5: {  	p1 =	sne.s32 s31, $0x0;
	s1 =	rddreg [dreg:$0x1a];
	[sflag:s13] =	ssyncadd.s32 $0xFFFF8300  }
0x1a6: {  	[hbm4b:s1+s3] =	stream.linear.scatter [tilespmem:s12], [sflag:$0x4], $0x7D00, $0x38;
	[tilespmem:$0x1F0A8] =	vst v63  }
.Ltmp1:
0x1a7: {  	_ = 	snop;
	(pc) =	sbr.rel @p1 .LBB2_1-.Ltmp1, $4  }
0x1a8: {  	_ =	swait.ge [sflag:s14], $0x7D00  }
0x1a9: {  	[sflag:s14] =	ssyncset.done $0x0  }
0x1aa: {  	[sflag:s14] =	ssyncadd.s32 $0xFFFF8300  }
0x1ab: {  	_ =	swait.ge [sflag:s15], $0x7D00  }
.LBB2_2:
0x1ac: {  	[sflag:s15] =	ssyncset.done $0x0  }
0x1ad: {  	[sflag:s15] =	ssyncadd.s32 $0xFFFF8300  }
0x1ae: {  	_ =	sfence.sel $0x180000  }
0x1af: {  	[bflag:$0x0] =	sbarrier.arrive $0xFFFF  }
0x1b0: {  	_ =	strace $0x90000047  }
0x1b1: {  	s0 =	stileid.u32;
	[bflag:$0x2] =	sbarrier.arrive $0xFFFF  }
0x1b2: {  	p0 =	sne.s32 s0, $0x0;
	s0 =	rddreg [dreg:$0x3]  }
0x1b3: {  	s0 =	sadd.s32 @!p0 $0x100000, s0  }
0x1b4: {  	[sflag:s0] =	ssyncadd.tile.s32 @!p0 $0x1;
	_ =	shalt  }
.Lfunc_end2:
_tile_overlayer_lowered:
.L_overlay_start_2:
0x1b5: {  	(tag) =	ssettag $0x2  }
0x1b6: {  	s0 =	rddreg [dreg:$0x0];
	s2 =	stileid.u32  }
0x1b7: {  	s1 =	rddreg [dreg:$0x1];
	p0 =	sne.s32 s2, $0x0  }
0x1b8: {  	s3 =	rddreg [dreg:$0x2];
	[bflag:$0x3] =	sbarrier.arrive $0xFFFF;
	s2 =	simm.s32 @!p0 $0x1C05  }
0x1b9: {  	[timem:s3], [sflag:s2] =	dma.local @!p0 [hbm:s0], s1  }
0x1ba: {  	s0 =	simm.s32 @!p0 $0x5  }
0x1bb: {  	_ =	swait.ge @!p0 [sflag:s0], s1  }
0x1bc: {  	s1 =	ssub.s32 @!p0 $0x0, s1;
	[sflag:s0] =	ssyncset.done @!p0 $0x0  }
0x1bd: {  	[sflag:s0] =	ssyncadd.s32 @!p0 s1  }
0x1be: {  	[bflag:$0x3] =	sbarrier.arrive $0xFFFF  }
0x1bf: {  	_ =	shalt  }

// kernel: sparse-core-data-format-call.cloned.1.call-start
scs
called_computation_lowered:
.L_overlay_start_0:
0x0: {  	s2 =	sld [smem:$0x3FD9]  }
0x1: {  	s3 =	sld [smem:$0x3FFE];
	_ =	sdelay $0x1  }
0x2: {  	s1 =	srdreg.scid  }
0x3: {  	s0 =	sand.u32 $0x1, s1  }
0x4: {  	s18 =	sshll.u32 s0, $0xA;
	s2 =	sadd.s32 s3, s2  }
0x5: {  	s2 =	sadd.s32 s2, s18  }
0x6: {  	[smem:$0x3FC6] =	sst s2  }
0x7: {  	_ = 	snop  }
0x8: {  	s2 =	sld [smem:$0x3FD0];
	(tm) =	ssettm $0x1  }
0x9: {  	s19 =	sld [smem:$0x3FFB];
	_ =	sdelay $0x3  }
0xa: {  	_ =	strace s19  }
0xb: {  	s3 =	sld [smem:$0x3FFC];
	_ =	sdelay $0x3  }
0xc: {  	_ =	strace s3  }
0xd: {  	s3 =	sld [smem:$0x3FFD];
	_ =	sdelay $0x3  }
0xe: {  	_ =	strace s3  }
0xf: {  	_ =	strace $0x8FFFFFFF  }
0x10: {  	s20 =	sld [smem:$0x3FDB];
	_ =	sdelay $0x1  }
0x11: {  	s4 =	simm.s32 $_scs_section_size  }
0x12: {  	s5 =	simm.s32 $_size__tile_overlayer_lowered;
	s6 =	simm.s32 $_tile_overlayer_lowered  }
0x13: {  	s23 =	simm.s32 $0x1BFF;
	s22 =	sshll.u32 s6, $0x1;
	s3 =	sadd.s32 s4, s20  }
0x14: {  	s7 =	simm.s32 $0x0;
	s21 =	sshll.u32 s5, $0x1;
	s5 =	sadd.s32 s22, s3  }
0x15: {  	[timem:s7], [sflag:s23] =	dma.local [hbm:s5], s21  }
0x16: {  	_ =	swait.ge [sflag:s23], s21  }
0x17: {  	s4 =	ssub.s32 $0x0, s21;
	[sflag:s23] =	ssyncset.done $0x0  }
0x18: {  	[sflag:s23] =	ssyncadd.s32 s4;
	_ =	sdelay $0x1  }
0x19: {  	s24 =	simm.s32 $0x1B8B  }
0x1a: {  	_ =	swait.ge [sflag:s24], $0x1  }
0x1b: {  	[sflag:s24] =	ssyncset.done $0x0  }
0x1c: {  	s26 =	simm.s32 $0x1B8E;
	s25 =	sld [smem:$0x3FFE];
	[sflag:s24] =	ssyncadd.s32 $0xFFFFFFFF  }
0x1d: {  	s27 =	simm.s32 $execute0_lowered;
	[smem:$0x3FD2] =	sst s26  }
0x1e: {  	s5 =	sshll.u32 s27, $0x1;
	_ =	strace $0x80000049;
	[dreg:$0x1] =	wrdreg $0xFFFFFFFF  }
0x1f: {  	s28 =	simm.s32 $_size_execute0_lowered;
	s3 =	sadd.s32 s3, s5;
	[dreg:$0x0] =	wrdreg $0x0  }
0x20: {  	s5 =	sshll.u32 s28, $0x1;
	[dreg:$0x2] =	wrdreg s3  }
0x21: {  	[dreg:$0x3] =	wrdreg s5  }
0x22: {  	[dreg:$0x4] =	wrdreg $0xC0  }
0x23: {  	_ =	task [dreg:s7], $0x5FFFF  }
0x24: {  	[dreg:$0x1] =	wrdreg $0xFFFFFFFF  }
0x25: {  	[dreg:$0x0] =	wrdreg $0x60  }
0x26: {  	[dreg:$0x2] =	wrdreg s25  }
0x27: {  	[dreg:$0x3] =	wrdreg s2  }
0x28: {  	[dreg:$0x4] =	wrdreg $0x9  }
0x29: {  	_ =	task.clear_ibuf [dreg:s7], $0x5FFFF;
	_ =	strace $0x90000049  }
0x2a: {  	s29 =	simm.s32 $0x9;
	_ =	strace $0x8000004B  }
0x2b: {  	_ =	swait.ge [sflag:s29], $0x1  }
0x2c: {  	[sflag:s29] =	ssyncadd.s32 $0xFFFFFFFF  }
0x2d: {  	_ =	strace $0x9000004B  }
0x2e: {  	_ =	sfence  }
0x2f: {  	s30 =	sld [smem:$0x0];
	_ =	sdelay $0x2  }
0x30: {  	s31 =	sshll.u32 s1, $0xD;
	s1 =	sshrl.u32 s1, $0x2  }
0x31: {  	s3 =	sand.u32 $0x4000, s31;
	s1 =	sadd.s32 s1, s30  }
0x32: {  	s0 =	sor.u32 s3, s0;
	s1 =	sshll.u32 s1, $0x11  }
0x33: {  	s0 =	sor.u32 s1, s0  }
0x34: {  	s0 =	sadd.s32 $0x8F2B, s0  }
0x35: {  	[sflag:s0] =	ssyncadd.remote.s32 $0x1  }
0x36: {  	_ =	sfence.sel $0xFFFF  }
0x37: {  	[dreg:$0x0] =	wrdreg $0xFFFFFFFF;
	(pc) =	sbr.abs _section_cstart, $3  }
0x38: {  	[dreg:$0x1] =	wrdreg $0xFFFFFFFF  }
0x39: {  	_ =	task.clear_ibuf [dreg:s7], $0x2FFFF;
	_ =	strace $0x9FFFFFFF  }
0x3a: {  	(tm) =	ssettm $0x7FFFFFFF  }
0x3b: {  	_ =	shalt  }
tec
execute0_lowered:
.L_overlay_start_1:
0x0: {  	(tag) =	ssettag $0x1  }
0x1: {  	s4 =	rddreg [dreg:$0x0]  }
0x2: {  	s0 =	stileid.u32;
	s2 =	rddreg [dreg:$0x1]  }
0x3: {  	s7 =	srdreg.scid;
	s31 =	simm.s32 $0x2;
	s17 =	simm.s32 $0x0  }
0x4: {  	s9 =	simm.s32 $0x2000;
	s19 =	simm.s32 $0x0;
	s18 =	simm.s32 $0x0  }
0x5: {  	s10 =	simm.s32 $0x0;
	s11 =	simm.s32 $0x0;
	s1 =	sshll.u32 s0, $0x7  }
0x6: {  	s12 =	simm.s32 $0x0;
	s14 =	simm.s32 $0x0;
	s3 =	sand.u32 $0x380, s1  }
0x7: {  	s16 =	simm.s32 $0x0;
	s4 =	sadd.s32 $0x800, s4;
	s5 =	ssub.s32 $0x400, s3  }
0x8: {  	s8 =	sshll.u32 s0, $0x4;
	s7 =	sshll.u32 s7, $0x8;
	s6 =	sand.u32 $0x380, s5  }
0x9: {  	s1 =	rddreg [dreg:$0x2];
	p0 =	sne.s32 s6, $0x0;
	s6 =	simm.s32 $0x1  }
.Ltmp0:
0xa: {  	s5 =	sshrl.u32 s5, $0xA;
	s6 =	simm.s32 @!p0 $0x0;
	(pc) =	sbr.rel .LBB1_1-.Ltmp0, $4  }
0xb: {  	_ =	strace $0x8000004A;
	s7 =	sor.u32 s8, s7;
	s6 =	sadd.s32 s6, s5  }
0xc: {  	s7 =	sand.u32 $0x180, s7;
	s5 =	simm.s32 $0x1;
	s6 =	smul.u32 $0x28, s6  }
0xd: {  	s15 =	smov.u32 s3;
	s13 =	smov.u32 s7;
	[sflag:s5] =	ssyncpa.u1 $0x0  }
0xe: {  	p0 =	por $0x0, $0x0;
	[sflag:s31] =	ssyncpa.u1 $0x0;
	s8 =	sor.u32 $0x1, s6  }
.LBB1_4:
0xf: {  	s25 =	sshll.u32 s10, $0xA;
	s24 =	sshra.s32 s24, $0x2;
	s26 =	sshll.u32 s12, $0x3  }
0x10: {  	p1 =	sgt.s32 s11, $0x13;
	s27 =	smov.u32 s11;
	s28 =	sshra.s32 s11, $0x1F  }
0x11: {  	p2 =	sgt.s32 s12, $0x380;
	s31 =	sshra.s32 s12, $0x1F;
	s25 =	sand.u32 $0xFFFFE000, s25  }
0x12: {  	s26 =	sand.u32 $0xFFFFFC00, s26;
	s27 =	simm.s32 @!p1 $0x13;
	s28 =	sand.u32 s28, s11  }
0x13: {  	[tilespmem:s22+$0x2040 ss:$0x81] =	vst.msk $0xffff, v4;
	s23 =	sadd.s32 s24, s23;
	s29 =	sadd.s32 s26, s25;
	s25 =	ssub.s32 s27, s28  }
0x14: {  	[tilespmem:s22+$0x2850 ss:$0x81] =	vst.msk $0xffff, v3;
	s27 =	smov.u32 s12;
	s28 =	smov.u32 s10;
	s26 =	sand.u32 s31, s12  }
0x15: {  	[tilespmem:s22+$0x3060 ss:$0x81] =	vst.msk $0xffff, v2;
	s24 =	sshrl.u32 s29, $0xA;
	s30 =	sadd.s32 $0xFFFFFFED, s25;
	s27 =	simm.s32 @!p2 $0x380  }
0x16: {  	v5 =	vld [tilespmem:s21+$0xFFFFFFD0];
	[tilespmem:s22+$0x0 ss:$0x81] =	vst.msk $0xffff, v1;
	p2 =	sgt.s32 s10, $0x368;
	s29 =	sshra.s32 s10, $0x1F;
	s22 =	ssub.s32 $0x14, s25  }
0x17: {  	v58 =	vld [tilespmem:s21+$0xFFFFFFE0];
	p1 =	sgt.s32 s30, $0x0;
	s28 =	simm.s32 @!p2 $0x368;
	s29 =	sand.u32 s29, s10  }
0x18: {  	v59 =	vld [tilespmem:s21+$0xFFFFFFF0];
	s26 =	ssub.s32 s27, s26;
	s27 =	smulhi.u32 $0x418938, s24;
	s28 =	ssub.s32 s28, s29  }
0x19: {  	v60 =	vld [tilespmem:s21+$0x0];
	s30 =	sadd.s32 $0xFFFFFC80, s26;
	s25 =	ssub.s32 $0x400, s26;
	s22 =	simm.s32 @p1 $0x0  }
0x1a: {  	v61 =	vld [tilespmem:s21+$0x10];
	[tilespmem:s23+$0x3870 ss:$0x81] =	vst.msk $0xffff, v0;
	s29 =	sand.u32 $0x78, s12;
	p2 =	sgt.s32 s30, $0x7F;
	s31 =	sadd.s32 $0xFFFFFC98, s28  }
0x1b: {  	v62 =	vld [tilespmem:s21+$0x20];
	[tilespmem:s23+$0x810 ss:$0x81] =	vst.msk $0xffff, v5;
	s27 =	smul.u32 $0x3E8, s27;
	s30 =	sshll.u32 s10, $0x7;
	s28 =	ssub.s32 $0x3E8, s28  }
0x1c: {  	v63 =	vld [tilespmem:s21+$0xFFFFFFC0];
	[tilespmem:s23+$0x1020 ss:$0x81] =	vst.msk $0xffff, v58;
	s25 =	simm.s32 @p2 $0x0;
	p1 =	sgt.s32 s31, $0x7F;
	s31 =	smul.u32 $0x1F400, s11  }
0x1d: {  	[tilespmem:s23+$0x1830 ss:$0x81] =	vst.msk $0xffff, v59;
	s21 =	sand.u32 $0x380, s30;
	s22 =	smul.u32 s25, s22;
	s28 =	simm.s32 @p1 $0x0  }
0x1e: {  	[tilespmem:s23+$0x2040 ss:$0x81] =	vst.msk $0xffff, v60;
	s21 =	sor.u32 s29, s21;
	s24 =	ssub.s32 s24, s27;
	s29 =	sand.u32 $0x7, s12  }
0x1f: {  	[tilespmem:s23+$0x2850 ss:$0x81] =	vst.msk $0xffff, v61;
	s21 =	sshrl.u32 s21, $0x3;
	s25 =	sadd.s32 s2, s31;
	s22 =	smul.u32 s28, s22  }
0x20: {  	[tilespmem:s23+$0x3060 ss:$0x81] =	vst.msk $0xffff, v62;
	s24 =	sshll.u32 s24, $0x7;
	s30 =	sshll.u32 s29, $0x12;
	s21 =	sadd.s32 s21, s25  }
0x21: {  	[tilespmem:s23+$0x0 ss:$0x81] =	vst.msk $0xffff, v63;
	s31 =	sor.u32 $0x400, s30;
	s21 =	sadd.s32 s24, s21;
	s22 =	sand.u32 $0x3FFFFFFF, s22  }
0x22: {  	[hbm4b:s21+s31] =	stream.strided.scatter [tilespmem:s20], [sflag:$0x2], s22, s9, s31, $0x20;
	[tilespmem:$0x10100] =	vst v63  }
.LBB1_5:
0x23: {  	p1 =	slt.u32 s16, $0x2  }
0x24: {  	p2 =	sgt.s32 @!p1 s19, $0x13  }
0x25: {  	s20 =	smov.u32 s19;
	s21 =	sshra.s32 @!p1 s19, $0x1F;
	p2 =	por !p2, p1  }
0x26: {  	s19 =	sand.u32 @!p1 s21, s19;
	s20 =	simm.s32 @p2 $0x13  }
0x27: {  	p3 =	sgt.s32 @!p1 s17, $0x368;
	s19 =	ssub.s32 @!p1 s20, s19  }
0x28: {  	p4 =	sgt.s32 @!p1 s18, $0x380;
	s22 =	sshra.s32 @!p1 s18, $0x1F;
	s20 =	sadd.s32 @!p1 $0xFFFFFFED, s19  }
0x29: {  	s21 =	smov.u32 s17;
	p2 =	sgt.s32 @!p1 s20, $0x0;
	s20 =	sshra.s32 @!p1 s17, $0x1F  }
0x2a: {  	p4 =	por !p4, p1;
	s17 =	sand.u32 @!p1 s20, s17;
	s20 =	smov.u32 s18  }
0x2b: {  	p3 =	por !p3, p1;
	s18 =	sand.u32 @!p1 s22, s18;
	s20 =	simm.s32 @p4 $0x380  }
0x2c: {  	s21 =	simm.s32 @p3 $0x368;
	s19 =	ssub.s32 @!p1 $0x14, s19;
	s18 =	ssub.s32 @!p1 s20, s18  }
0x2d: {  	p2 =	por !p2, p1;
	s17 =	ssub.s32 @!p1 s21, s17;
	s21 =	sadd.s32 @!p1 $0xFFFFFC80, s18  }
0x2e: {  	s19 =	simm.s32 @!p2 $0x0;
	p3 =	sgt.s32 @!p1 s21, $0x7F  }
0x2f: {  	s20 =	sadd.s32 @!p1 $0xFFFFFC98, s17;
	s18 =	ssub.s32 @!p1 $0x400, s18;
	p3 =	por !p3, p1  }
0x30: {  	p2 =	sgt.s32 @!p1 s20, $0x7F;
	s20 =	sadd.s32 $0x200, s13;
	s18 =	simm.s32 @!p3 $0x0  }
0x31: {  	p3 =	sgt.s32 s20, $0x3E7;
	s18 =	smul.u32 @!p1 s18, s19;
	s19 =	simm.s32 $0x1  }
0x32: {  	s17 =	ssub.s32 @!p1 $0x3E8, s17;
	p2 =	por !p2, p1;
	s19 =	simm.s32 @!p3 $0x0  }
0x33: {  	s22 =	smov.u32 s15;
	s17 =	simm.s32 @!p2 $0x0;
	s21 =	sadd.s32 s19, s14  }
0x34: {  	s17 =	smul.u32 @!p1 s17, s18;
	s18 =	sadd.s32 $0x400, s15;
	p2 =	sgt.s32 s21, $0x13  }
0x35: {  	p0 =	por !p0, !p0;
	s23 =	simm.s32 @!p1 $0x2;
	s22 =	smov.u32 @p2 s18  }
0x36: {  	s20 =	smov.u32 @p3 s7;
	s21 =	simm.s32 @p2 $0x0;
	p2 =	sgt.s32 s22, $0x3FF  }
0x37: {  	s19 =	smov.u32 s11;
	s22 =	smov.u32 @p2 s3;
	p2 =	sne.s32 s16, s8  }
.Ltmp1:
0x38: {  	s11 =	smov.u32 s14;
	s17 =	sand.u32 @!p1 $0x3FFFFFFF, s17;
	(pc) =	sbr.rel @!p2 .LBB1_6-.Ltmp1, $4  }
0x39: {  	s18 =	smov.u32 s12;
	s12 =	smov.u32 s15;
	_ =	swait.ge @!p1 [sflag:s23], s17  }
0x3a: {  	s24 =	ssub.s32 @!p1 $0x0, s17;
	s17 =	smov.u32 s10;
	s10 =	smov.u32 s13  }
0x3b: {  	s13 =	smov.u32 s20;
	s14 =	smov.u32 s21;
	[sflag:s23] =	ssyncset.done @!p1 $0x0  }
0x3c: {  	s16 =	sadd.s32 $0x1, s16;
	[sflag:s23] =	ssyncadd.s32 @!p1 s24;
	s15 =	smov.u32 s22  }
.LBB1_1:
0x3d: {  	p1 =	sge.u32 s16, s6  }
0x3e: {  	s20 =	sshll.u32 @!p1 s14, $0xA  }
0x3f: {  	s21 =	sshll.u32 @!p1 s13, $0x3;
	s20 =	sand.u32 @!p1 $0xFFFFE000, s20  }
0x40: {  	s20 =	sadd.s32 @!p1 s20, s21  }
0x41: {  	s20 =	sshrl.u32 @!p1 s20, $0xA  }
0x42: {  	s21 =	smulhi.u32 @!p1 $0xAAAAAAB, s20  }
0x43: {  	s22 =	sshll.u32 @!p1 s14, $0x7;
	s24 =	smul.u32 @!p1 $0xC00, s15  }
0x44: {  	s23 =	sand.u32 @!p1 $0x78, s13;
	s22 =	sand.u32 @!p1 $0x380, s22;
	s21 =	smul.u32 @!p1 $0x18, s21  }
0x45: {  	s31 =	sadd.s32 $0xFFFFFFFF, s16;
	s22 =	sor.u32 @!p1 s23, s22;
	s23 =	sadd.s32 @!p1 s4, s24  }
0x46: {  	s22 =	sshrl.u32 @!p1 s22, $0x3;
	s20 =	ssub.s32 @!p1 s20, s21;
	s21 =	sxor.u32 @!p1 $0xFFFFFFFF, s16  }
0x47: {  	s22 =	sadd.s32 @!p1 s22, s23;
	s23 =	sand.u32 @!p1 $0x7, s13;
	s21 =	sshll.u32 @!p1 s21, $0xE  }
0x48: {  	s23 =	sshll.u32 @!p1 s23, $0x12;
	s20 =	sshll.u32 @!p1 s20, $0x7;
	s21 =	sand.u32 @!p1 $0x4000, s21  }
0x49: {  	s20 =	sadd.s32 @!p1 s20, s22;
	s22 =	sor.u32 @!p1 $0x80, s23;
	s23 =	simm.s32 @!p1 $0x6000  }
0x4a: {  	[tilespmem:s21], [sflag:$0x1] =	stream.strided.gather @!p1 [hbm4b:s20+s22], $0x4000, s23, s22, $0x38;
	[tilespmem:$0x10100] =	vst v63  }
0x4b: {  	p1 =	sge.u32 s31, s6  }
.Ltmp2:
0x4c: {  	_ = 	snop;
	(pc) =	sbr.rel @p1 .LBB1_5-.Ltmp2, $1  }
0x4d: {  	_ =	sdelay $0x3  }
0x4e: {  	s20 =	simm.s32 $0x1  }
0x4f: {  	_ =	swait.ge [sflag:s5], $0x4000;
	s20 =	simm.s32 @!p0 $0x0  }
0x50: {  	[sflag:s5] =	ssyncset.done $0x0;
	s21 =	sshll.u32 s20, $0xE  }
0x51: {  	[sflag:s5] =	ssyncadd.s32 $0xFFFFC000;
	s21 =	sor.u32 $0x40, s21  }
0x52: {  	s20 =	smul.u32 $0x10200, s20;
	v0 =	vld [tilespmem:s21+$0x30]  }
0x53: {  	v1 =	vld [tilespmem:s21+$0xFFFFFFD0]  }
0x54: {  	s20 =	sshrl.u32 s20, $0x2;
	v5 =	vld [tilespmem:s21+$0xFFFFFFE0]  }
0x55: {  	v6 =	vld [tilespmem:s21+$0xFFFFFFF0];
	s23 =	sor.u32 $0x8000, s20  }
0x56: {  	s31 =	sand.u32 $0x1, s16;
	v4 =	vld [tilespmem:s21+$0x0];
	s22 =	sadd.s32 $0x0, s23  }
0x57: {  	v3 =	vld [tilespmem:s21+$0x10];
	s20 =	smul.u32 $0x10200, s31;
	[tilespmem:s22+$0x3870 ss:$0x81] =	vst.msk $0xffff, v0  }
0x58: {  	v2 =	vld [tilespmem:s21+$0x20];
	[tilespmem:s22+$0x810 ss:$0x81] =	vst.msk $0xffff, v1  }
0x59: {  	s20 =	sshrl.u32 s20, $0x2;
	v1 =	vld [tilespmem:s21+$0xFFFFFFC0];
	[tilespmem:s22+$0x1020 ss:$0x81] =	vst.msk $0xffff, v5;
	s21 =	sadd.s32 $0x80, s21  }
0x5a: {  	s24 =	simm.s32 $0x4;
	s25 =	simm.s32 $0x8;
	s20 =	sor.u32 $0x8000, s20;
	[tilespmem:s22+$0x1830 ss:$0x81] =	vst.msk $0xffff, v6;
	v0 =	vld [tilespmem:s21+$0x30]  }
.LBB1_3:
0x5b: {  	p1 =	sne.s32 s25, $0x1FC;
	v5 =	vld [tilespmem:s21+$0xFFFFFFD0];
	[tilespmem:s22+$0x2040 ss:$0x81] =	vst.msk $0xffff, v4  }
0x5c: {  	v6 =	vld [tilespmem:s21+$0xFFFFFFE0];
	[tilespmem:s22+$0x2850 ss:$0x81] =	vst.msk $0xffff, v3  }
0x5d: {  	s26 =	sshra.s32 s24, $0x2;
	s24 =	smov.u32 s25;
	v7 =	vld [tilespmem:s21+$0xFFFFFFF0];
	[tilespmem:s22+$0x3060 ss:$0x81] =	vst.msk $0xffff, v2  }
.Ltmp3:
0x5e: {  	v4 =	vld [tilespmem:s21+$0x0];
	[tilespmem:s22+$0x0 ss:$0x81] =	vst.msk $0xffff, v1;
	s22 =	sadd.s32 s26, s23;
	(pc) =	sbr.rel @p1 .LBB1_3-.Ltmp3, $4  }
0x5f: {  	v3 =	vld [tilespmem:s21+$0x10];
	[tilespmem:s22+$0x3870 ss:$0x81] =	vst.msk $0xffff, v0  }
0x60: {  	[tilespmem:s22+$0x810 ss:$0x81] =	vst.msk $0xffff, v5;
	v2 =	vld [tilespmem:s21+$0x20]  }
0x61: {  	v1 =	vld [tilespmem:s21+$0xFFFFFFC0];
	[tilespmem:s22+$0x1020 ss:$0x81] =	vst.msk $0xffff, v6;
	s21 =	sadd.s32 $0x80, s21  }
0x62: {  	s25 =	sadd.s32 $0x4, s25;
	v0 =	vld [tilespmem:s21+$0x30];
	[tilespmem:s22+$0x1830 ss:$0x81] =	vst.msk $0xffff, v7  }
.Ltmp4:
0x63: {  	_ = 	snop;
	(pc) =	sbr.rel .LBB1_4-.Ltmp4, $1  }
0x64: {  	_ =	sdelay $0x3  }
.LBB1_6:
0x65: {  	_ =	sfence.sel $0x180000  }
0x66: {  	s2 =	simm.s32 $0x1;
	[bflag:$0x0] =	sbarrier.arrive $0xFFFF  }
0x67: {  	s31 =	simm.s32 $0x2;
	[sflag:s2] =	ssyncpa.u1 $0x1  }
0x68: {  	[sflag:s31] =	ssyncpa.u1 $0x1  }
0x69: {  	p0 =	sne.s32 s0, $0x0;
	_ =	strace $0x9000004A  }
0x6a: {  	s0 =	sadd.s32 @!p0 $0x100000, s1;
	[bflag:$0x2] =	sbarrier.arrive $0xFFFF  }
0x6b: {  	[sflag:s0] =	ssyncadd.tile.s32 @!p0 $0x1;
	_ =	shalt  }
.Lfunc_end1:
_tile_overlayer_lowered:
.L_overlay_start_2:
0x6c: {  	(tag) =	ssettag $0x2  }
0x6d: {  	s0 =	rddreg [dreg:$0x0];
	s2 =	stileid.u32  }
0x6e: {  	s1 =	rddreg [dreg:$0x1];
	p0 =	sne.s32 s2, $0x0  }
0x6f: {  	s3 =	rddreg [dreg:$0x2];
	[bflag:$0x3] =	sbarrier.arrive $0xFFFF;
	s2 =	simm.s32 @!p0 $0x1C01  }
0x70: {  	[timem:s3], [sflag:s2] =	dma.local @!p0 [hbm:s0], s1  }
0x71: {  	s0 =	simm.s32 @!p0 $0x1  }
0x72: {  	_ =	swait.ge @!p0 [sflag:s0], s1  }
0x73: {  	s1 =	ssub.s32 @!p0 $0x0, s1;
	[sflag:s0] =	ssyncset.done @!p0 $0x0  }
0x74: {  	[sflag:s0] =	ssyncadd.s32 @!p0 s1  }
0x75: {  	[bflag:$0x3] =	sbarrier.arrive $0xFFFF  }
0x76: {  	_ =	shalt  }

</sc_bundles>
